<compile_context>
chip_gen: v7x
topology: tpu7x:2x2x1
jax: 0.10.2.dev20260603
libtpu: 0.0.44.dev20260713+nightly
codegen_flags: <defaults>
</compile_context>

<pallas_src>
import functools
import jax
import jax.numpy as jnp
from jax import lax
from jax.experimental import pallas as pl
from jax.experimental.pallas import tpu as pltpu
from jax.experimental.pallas import tpu_sc as plsc

N = 10000
NP = 10240
E = 320000
D = 128

BN = 5120
GRID = NP // BN

FPT = 4
CH = 8000
NCHUNK = E // CH
GP = CH // 16

_mesh = plsc.VectorSubcoreMesh(core_axis_name="c", subcore_axis_name="s")


def _make_spmm(with_count: bool):
    out_type = [jax.ShapeDtypeStruct((D, NP), jnp.float32)]
    if with_count:
        out_type.append(jax.ShapeDtypeStruct((32, NP), jnp.float32))

    scratch = (
        [pltpu.VMEM((NP,), jnp.int32) for _ in range(2)]
        + [pltpu.VMEM((NP,), jnp.float32) for _ in range(FPT)]
        + [
        pltpu.VMEM((NP,), jnp.float32),
        pltpu.VMEM((CH,), jnp.int32),
        pltpu.VMEM((CH,), jnp.int32),
        pltpu.VMEM((CH,), jnp.float32),
        pltpu.VMEM((CH,), jnp.float32),
        pltpu.VMEM((2000,), jnp.int32),
        pltpu.VMEM((2000,), jnp.int32),
        pltpu.SemaphoreType.DMA,
        pltpu.SemaphoreType.DMA,
        pltpu.SemaphoreType.DMA,
    ])

    def body(yTp_hbm, sd_hbm, ew_hbm, *rest):
        if with_count:
            zT_hbm, parts_hbm = rest[0], rest[1]
            rest = rest[2:]
        else:
            zT_hbm = rest[0]
            rest = rest[1:]
        table_v = rest[:2]
        acc_v = rest[2:2 + FPT]
        (cnt_v, sdb0, sdb1, ewb0, ewb1, cb0, cb1,
         sem_t, sem0, sem1) = rest[2 + FPT:]
        cb = (cb0, cb1)
        sdb = (sdb0, sdb1)
        ewb = (ewb0, ewb1)
        sems = (sem0, sem1)

        wid = lax.axis_index("s") * 2 + lax.axis_index("c")
        p0 = wid * 2

        tcopies = [
            pltpu.make_async_copy(yTp_hbm.at[p0 + j], table_v[j], sem_t)
            for j in range(2)
        ]
        for c in tcopies:
            c.start()

        zeros16 = jnp.zeros((16,), jnp.float32)
        ones16 = jnp.ones((16,), jnp.float32)

        def zero_body(i, _):
            for f in range(FPT):
                acc_v[f][pl.ds(i * 16, 16)] = zeros16
            cnt_v[pl.ds(i * 16, 16)] = zeros16
            return 0

        lax.fori_loop(0, NP // 16, zero_body, 0)
        for c in tcopies:
            c.wait()

        def start(ci, b):
            pltpu.make_async_copy(sd_hbm.at[pl.ds(ci * CH, CH)], sdb[b], sems[b]).start()
            pltpu.make_async_copy(ew_hbm.at[pl.ds(ci * CH, CH)], ewb[b], sems[b]).start()

        def wait(b):
            pltpu.make_async_copy(sd_hbm.at[pl.ds(0, CH)], sdb[b], sems[b]).wait()
            pltpu.make_async_copy(ew_hbm.at[pl.ds(0, CH)], ewb[b], sems[b]).wait()

        def process(b):
            @plsc.parallel_loop(0, GP, step=1, unroll=1)
            def _(g):
                sd16 = sdb[b][pl.ds(g * 16, 16)]
                w16 = ewb[b][pl.ds(g * 16, 16)]
                s16 = lax.shift_right_logical(sd16, 14)
                d16 = sd16 & 16383
                for j in range(2):
                    vp = plsc.load_gather(table_v[j], [s16])
                    lo = plsc.bitcast(lax.shift_left(vp, 16), jnp.float32)
                    hi = plsc.bitcast(vp & jnp.int32(-65536), jnp.float32)
                    plsc.addupdate_scatter(acc_v[2 * j], [d16], lo * w16)
                    plsc.addupdate_scatter(acc_v[2 * j + 1], [d16], hi * w16)

        start(0, 0)

        def chunk2(i, _):
            base = i * 2
            wait(0)

            @pl.when(base + 1 < NCHUNK)
            def _():
                start(base + 1, 1)

            process(0)

            @pl.when(base + 1 < NCHUNK)
            def _():
                wait(1)

                @pl.when(base + 2 < NCHUNK)
                def _():
                    start(base + 2, 0)

                process(1)

            return 0

        lax.fori_loop(0, (NCHUNK + 1) // 2, chunk2, 0)

        feat = (2 * wid, 2 * wid + 64, 2 * wid + 1, 2 * wid + 65)
        for f in range(FPT):
            pltpu.sync_copy(acc_v[f], zT_hbm.at[feat[f]])

        if with_count:
            EC = E // 32
            CC = 2000
            base_e = wid * EC
            ccopies = [
                pltpu.make_async_copy(
                    sd_hbm.at[pl.ds(base_e + k * CC, CC)], cb[k % 2], sems[k % 2])
                for k in range(EC // CC)
            ]
            ccopies[0].start()
            ccopies[1].start()
            for k in range(EC // CC):
                ccopies[k].wait()

                @plsc.parallel_loop(0, CC // 16, step=1, unroll=1)
                def _(g):
                    d16 = cb[k % 2][pl.ds(g * 16, 16)] & 16383
                    plsc.addupdate_scatter(cnt_v, [d16], ones16)

                if k + 2 < EC // CC:
                    ccopies[k + 2].start()
            pltpu.sync_copy(cnt_v, parts_hbm.at[wid])

    return pl.kernel(
        body,
        out_type=tuple(out_type) if with_count else out_type[0],
        mesh=_mesh,
        scratch_types=scratch,
        compiler_params=pltpu.CompilerParams(needs_layout_passes=False),
    )


_spmm_count = _make_spmm(True)
_spmm = _make_spmm(False)



def _pack_rows(y):
    a = lax.convert_element_type(y[:64], jnp.bfloat16)
    b = lax.convert_element_type(y[64:], jnp.bfloat16)
    au = lax.convert_element_type(lax.bitcast_convert_type(a, jnp.uint16), jnp.uint32)
    bu = lax.convert_element_type(lax.bitcast_convert_type(b, jnp.uint16), jnp.uint32)
    return lax.bitcast_convert_type(au | (bu << 16), jnp.int32)


def _k1_body(x_ref, w_ref, ei_ref, yTp_ref, sd_ref):
    y = lax.dot_general(
        w_ref[...], x_ref[...], (((1,), (1,)), ((), ())),
        preferred_element_type=jnp.float32)
    yTp_ref[...] = _pack_rows(y)
    sd_ref[...] = (ei_ref[0:1, :] << 14) | ei_ref[1:2, :]


_k1 = pl.pallas_call(
    _k1_body,
    grid=(GRID,),
    in_specs=[
        pl.BlockSpec((BN, D), lambda i: (i, 0)),
        pl.BlockSpec((D, D), lambda i: (0, 0)),
        pl.BlockSpec((2, E // GRID), lambda i: (0, i)),
    ],
    out_specs=[
        pl.BlockSpec((64, BN), lambda i: (0, i)),
        pl.BlockSpec((1, E // GRID), lambda i: (0, i)),
    ],
    out_shape=[
        jax.ShapeDtypeStruct((64, NP), jnp.int32),
        jax.ShapeDtypeStruct((1, E), jnp.int32),
    ],
)


def _k2_body(x_ref, z_ref, parts_ref, w1s_ref, b1s_ref, b1n_ref, w2n_ref,
             hT_ref, yT2_ref, inv_ref):
    s = lax.dot_general(w1s_ref[...], x_ref[...], (((1,), (1,)), ((), ())),
                        preferred_element_type=jnp.float32)
    c = jnp.sum(parts_ref[...], axis=0, keepdims=True)
    inv = 1.0 / jnp.maximum(c, 1.0)
    inv_ref[...] = inv
    agg = z_ref[...] * inv
    h = jnp.maximum(s + agg + b1s_ref[...] + b1n_ref[...], 0.0)
    hT_ref[...] = h
    y2 = lax.dot_general(w2n_ref[...], h, (((1,), (0,)), ((), ())),
                         preferred_element_type=jnp.float32)
    yT2_ref[...] = _pack_rows(y2)


_k2 = pl.pallas_call(
    _k2_body,
    grid=(GRID,),
    in_specs=[
        pl.BlockSpec((BN, D), lambda i: (i, 0)),
        pl.BlockSpec((D, BN), lambda i: (0, i)),
        pl.BlockSpec((32, BN), lambda i: (0, i)),
        pl.BlockSpec((D, D), lambda i: (0, 0)),
        pl.BlockSpec((D, 1), lambda i: (0, 0)),
        pl.BlockSpec((D, 1), lambda i: (0, 0)),
        pl.BlockSpec((D, D), lambda i: (0, 0)),
    ],
    out_specs=[
        pl.BlockSpec((D, BN), lambda i: (0, i)),
        pl.BlockSpec((64, BN), lambda i: (0, i)),
        pl.BlockSpec((1, BN), lambda i: (0, i)),
    ],
    out_shape=[
        jax.ShapeDtypeStruct((D, NP), jnp.float32),
        jax.ShapeDtypeStruct((64, NP), jnp.int32),
        jax.ShapeDtypeStruct((1, NP), jnp.float32),
    ],
)


def _k3_body(hT_ref, z_ref, inv_ref, w2s_ref, b2s_ref, b2n_ref, out_ref):
    m = lax.dot_general(hT_ref[...], w2s_ref[...], (((0,), (1,)), ((), ())),
                        preferred_element_type=jnp.float32)
    agg = (z_ref[...] * inv_ref[...]).T
    out_ref[...] = m + agg + b2s_ref[...] + b2n_ref[...]


_k3 = pl.pallas_call(
    _k3_body,
    grid=(GRID,),
    in_specs=[
        pl.BlockSpec((D, BN), lambda i: (0, i)),
        pl.BlockSpec((D, BN), lambda i: (0, i)),
        pl.BlockSpec((1, BN), lambda i: (0, i)),
        pl.BlockSpec((D, D), lambda i: (0, 0)),
        pl.BlockSpec((1, D), lambda i: (0, 0)),
        pl.BlockSpec((1, D), lambda i: (0, 0)),
    ],
    out_specs=pl.BlockSpec((BN, D), lambda i: (i, 0)),
    out_shape=jax.ShapeDtypeStruct((N, D), jnp.float32),
)


@jax.jit
def kernel(x, edge_index, edge_weight,
           W1_self, b1_self, W1_neigh, b1_neigh, wp1,
           W2_self, b2_self, W2_neigh, b2_neigh, wp2):
    w1n = W1_neigh * wp1[0, 0]
    w2n = W2_neigh * wp2[0, 0]

    yT1, sd = _k1(x, w1n, edge_index)
    sd = sd.reshape(E)
    zT1, parts = _spmm_count(yT1, sd, edge_weight)
    hT, yT2, inv2d = _k2(x, zT1, parts, W1_self, b1_self.reshape(D, 1),
                         b1_neigh.reshape(D, 1), w2n)
    zT2 = _spmm(yT2, sd, edge_weight)
    out = _k3(hT, zT2, inv2d, W2_self, b2_self.reshape(1, D),
              b2_neigh.reshape(1, D))
    return out

# --- scband reference (transcript-rebuilt; emitter-appended) ---
"""Pipeline reference for scband-custom-graph-sage-18287970746599 (READ-ONLY COPY).

The authoritative reference and input builder live on the scoring server;
editing this copy changes nothing except your own understanding.
"""

import jax, jax.numpy as jnp
import numpy as np

N = 10000
E = 320000
D = 128
H = 128
O = 128


def _xavier(key, fan_out, fan_in):
    s = float(np.sqrt(6.0 / (fan_in + fan_out)))
    return jax.random.uniform(key, (fan_out, fan_in), dtype=jnp.float32, minval=-s, maxval=s)


def setup_inputs(seed: int = 0) -> dict:
    key = jax.random.key(seed)
    ks = jax.random.split(key, 8)
    x = jax.random.normal(ks[0], (N, D), dtype=jnp.float32)
    edge_index = jax.random.randint(ks[1], (2, E), 0, N, dtype=jnp.int32)
    edge_weight = jax.random.uniform(ks[2], (E,), dtype=jnp.float32)
    W1_self = _xavier(ks[3], H, D)
    b1_self = jnp.zeros((H,), dtype=jnp.float32)
    W1_neigh = _xavier(ks[4], H, D)
    b1_neigh = jnp.zeros((H,), dtype=jnp.float32)
    wp1 = jnp.ones((1, 1), dtype=jnp.float32)
    W2_self = _xavier(ks[5], O, H)
    b2_self = jnp.zeros((O,), dtype=jnp.float32)
    W2_neigh = _xavier(ks[6], O, H)
    b2_neigh = jnp.zeros((O,), dtype=jnp.float32)
    wp2 = jnp.ones((1, 1), dtype=jnp.float32)
    return {
        "x": x, "edge_index": edge_index, "edge_weight": edge_weight,
        "W1_self": W1_self, "b1_self": b1_self, "W1_neigh": W1_neigh, "b1_neigh": b1_neigh, "wp1": wp1,
        "W2_self": W2_self, "b2_self": b2_self, "W2_neigh": W2_neigh, "b2_neigh": b2_neigh, "wp2": wp2,
    }


def _sage_layer(x, edge_index, edge_weight, W_self, b_self, W_neigh, b_neigh, wp):
    src = edge_index[0]
    dst = edge_index[1]
    x_self = x @ W_self.T + b_self
    # message: x_j * edge_weight * weight_param
    msgs = x[src] * edge_weight[:, None] * wp
    # aggregate: scatter_mean over dst with dim_size = N
    summed = jax.ops.segment_sum(msgs, dst, num_segments=x.shape[0])
    count = jax.ops.segment_sum(jnp.ones((msgs.shape[0], 1), dtype=msgs.dtype), dst, num_segments=x.shape[0])
    count = jnp.clip(count, 1.0, None)
    agg = summed / count
    out = agg @ W_neigh.T + b_neigh
    return x_self + out


def reference(x, edge_index, edge_weight,
              W1_self, b1_self, W1_neigh, b1_neigh, wp1,
              W2_self, b2_self, W2_neigh, b2_neigh, wp2):
    h = _sage_layer(x, edge_index, edge_weight, W1_self, b1_self, W1_neigh, b1_neigh, wp1)
    h = jax.nn.relu(h)
    # dropout p=0.0 -> identity
    out = _sage_layer(h, edge_index, edge_weight, W2_self, b2_self, W2_neigh, b2_neigh, wp2)
    return out

if __name__ == "__main__":
    import jax
    _d = setup_inputs()
    print(jax.jit(kernel)(*tuple(_d.values())))

</pallas_src>

<mosaic_0001>
#map = affine_map<(d0, d1) -> (0, 0)>
#map1 = affine_map<(d0, d1) -> (0)>
module attributes {stable_mosaic.version = 14 : i64} {
  func.func @body(%arg0: i32, %arg1: i32, %arg2: memref<64x10240xi32, #tpu.memory_space<hbm>>, %arg3: memref<320000xi32, #tpu.memory_space<hbm>>, %arg4: memref<320000xf32, #tpu.memory_space<hbm>>, %arg5: memref<128x10240xf32, #tpu.memory_space<hbm>>, %arg6: memref<32x10240xf32, #tpu.memory_space<hbm>>, %arg7: memref<10240xi32, #tpu.memory_space<vmem>>, %arg8: memref<10240xi32, #tpu.memory_space<vmem>>, %arg9: memref<10240xf32, #tpu.memory_space<vmem>>, %arg10: memref<10240xf32, #tpu.memory_space<vmem>>, %arg11: memref<10240xf32, #tpu.memory_space<vmem>>, %arg12: memref<10240xf32, #tpu.memory_space<vmem>>, %arg13: memref<10240xf32, #tpu.memory_space<vmem>>, %arg14: memref<8000xi32, #tpu.memory_space<vmem>>, %arg15: memref<8000xi32, #tpu.memory_space<vmem>>, %arg16: memref<8000xf32, #tpu.memory_space<vmem>>, %arg17: memref<8000xf32, #tpu.memory_space<vmem>>, %arg18: memref<2000xi32, #tpu.memory_space<vmem>>, %arg19: memref<2000xi32, #tpu.memory_space<vmem>>, %arg20: memref<!tpu.dma_semaphore, #tpu.memory_space<semaphore_mem>>, %arg21: memref<!tpu.dma_semaphore, #tpu.memory_space<semaphore_mem>>, %arg22: memref<!tpu.dma_semaphore, #tpu.memory_space<semaphore_mem>>) attributes {dimension_semantics = [#tpu.dimension_semantics<core_parallel>, #tpu.dimension_semantics<subcore_parallel>], iteration_bounds = array<i64: 2, 16>, scalar_prefetch = 0 : i64, scratch_operands = 16 : i64, tpu.core_type = #tpu.core_type<sc_vector_subcore>, window_params = [{transform_indices = #map}, {transform_indices = #map1}, {transform_indices = #map1}, {transform_indices = #map}, {transform_indices = #map}]} {
    %mul3A = arith.constant 2 : i32
    %mul3A_0 = arith.muli %arg1, %mul3A : i32
    %add3A = arith.addi %mul3A_0, %arg0 : i32
    %mul3A_1 = arith.constant 2 : i32
    %mul3A_2 = arith.muli %add3A, %mul3A_1 : i32
    %add3A_3 = arith.constant 0 : i32
    %add3A_4 = arith.addi %mul3A_2, %add3A_3 : i32
    %add3A_5 = arith.constant 1 : i32
    %add3A_6 = arith.addi %mul3A_2, %add3A_5 : i32
    %dma_start3A = arith.constant 0 : i32
    %dma_start3A_7 = tpu.memref_slice %arg2[%add3A_4, %dma_start3A] : memref<64x10240xi32, #tpu.memory_space<hbm>> -> memref<1x10240xi32, #tpu.memory_space<hbm>>
    %dma_start3A_8 = tpu.memref_squeeze %dma_start3A_7 : memref<1x10240xi32, #tpu.memory_space<hbm>> -> memref<10240xi32, #tpu.memory_space<hbm>>
    %dma_start3A_9 = arith.constant 0 : i32
    %dma_start3A_10 = tpu.memref_slice %arg2[%add3A_4, %dma_start3A_9] : memref<64x10240xi32, #tpu.memory_space<hbm>> -> memref<1x10240xi32, #tpu.memory_space<hbm>>
    %dma_start3A_11 = tpu.memref_squeeze %dma_start3A_10 : memref<1x10240xi32, #tpu.memory_space<hbm>> -> memref<10240xi32, #tpu.memory_space<hbm>>
    tpu.enqueue_dma source(%dma_start3A_11 : memref<10240xi32, #tpu.memory_space<hbm>>) target(%arg7 : memref<10240xi32, #tpu.memory_space<vmem>>) target_semaphore(%arg20 : memref<!tpu.dma_semaphore, #tpu.memory_space<semaphore_mem>>)
    %dma_start3A_12 = arith.constant 0 : i32
    %dma_start3A_13 = tpu.memref_slice %arg2[%add3A_6, %dma_start3A_12] : memref<64x10240xi32, #tpu.memory_space<hbm>> -> memref<1x10240xi32, #tpu.memory_space<hbm>>
    %dma_start3A_14 = tpu.memref_squeeze %dma_start3A_13 : memref<1x10240xi32, #tpu.memory_space<hbm>> -> memref<10240xi32, #tpu.memory_space<hbm>>
    %dma_start3A_15 = arith.constant 0 : i32
    %dma_start3A_16 = tpu.memref_slice %arg2[%add3A_6, %dma_start3A_15] : memref<64x10240xi32, #tpu.memory_space<hbm>> -> memref<1x10240xi32, #tpu.memory_space<hbm>>
    %dma_start3A_17 = tpu.memref_squeeze %dma_start3A_16 : memref<1x10240xi32, #tpu.memory_space<hbm>> -> memref<10240xi32, #tpu.memory_space<hbm>>
    tpu.enqueue_dma source(%dma_start3A_17 : memref<10240xi32, #tpu.memory_space<hbm>>) target(%arg8 : memref<10240xi32, #tpu.memory_space<vmem>>) target_semaphore(%arg20 : memref<!tpu.dma_semaphore, #tpu.memory_space<semaphore_mem>>)
    %broadcast_in_dim3A = arith.constant 0.000000e+00 : f32
    %broadcast_in_dim3A_18 = vector.broadcast %broadcast_in_dim3A : f32 to vector<16xf32>
    %broadcast_in_dim3A_19 = arith.constant 1.000000e+00 : f32
    %broadcast_in_dim3A_20 = vector.broadcast %broadcast_in_dim3A_19 : f32 to vector<16xf32>
    %scan3A = arith.constant 0 : i32
    %scan3A_21 = arith.constant 0 : i32
    %scan3A_22 = arith.constant 640 : i32
    %scan3A_23 = arith.addi %scan3A_21, %scan3A_22 : i32
    %scan3A_24 = arith.constant 1 : i32
    %scan3A_25 = scf.for %scan3A_113 = %scan3A_21 to %scan3A_23 step %scan3A_24 iter_args(%scan3A_114 = %scan3A) -> (i32)  : i32 {
      %mul3A_115 = arith.constant 16 : i32
      %mul3A_116 = arith.muli %scan3A_113, %mul3A_115 : i32
      %swap3A = arith.index_cast %mul3A_116 : i32 to index
      %swap3A_117 = tpu.vector_load %arg9[%swap3A] {strides = array<i32>} : memref<10240xf32, #tpu.memory_space<vmem>>, vector<16xf32>,
      tpu.vector_store %arg9[%swap3A], %broadcast_in_dim3A_18 {strides = array<i32>} : memref<10240xf32, #tpu.memory_space<vmem>>, vector<16xf32>,
      %mul3A_118 = arith.constant 16 : i32
      %mul3A_119 = arith.muli %scan3A_113, %mul3A_118 : i32
      %swap3A_120 = arith.index_cast %mul3A_119 : i32 to index
      %swap3A_121 = tpu.vector_load %arg10[%swap3A_120] {strides = array<i32>} : memref<10240xf32, #tpu.memory_space<vmem>>, vector<16xf32>,
      tpu.vector_store %arg10[%swap3A_120], %broadcast_in_dim3A_18 {strides = array<i32>} : memref<10240xf32, #tpu.memory_space<vmem>>, vector<16xf32>,
      %mul3A_122 = arith.constant 16 : i32
      %mul3A_123 = arith.muli %scan3A_113, %mul3A_122 : i32
      %swap3A_124 = arith.index_cast %mul3A_123 : i32 to index
      %swap3A_125 = tpu.vector_load %arg11[%swap3A_124] {strides = array<i32>} : memref<10240xf32, #tpu.memory_space<vmem>>, vector<16xf32>,
      tpu.vector_store %arg11[%swap3A_124], %broadcast_in_dim3A_18 {strides = array<i32>} : memref<10240xf32, #tpu.memory_space<vmem>>, vector<16xf32>,
      %mul3A_126 = arith.constant 16 : i32
      %mul3A_127 = arith.muli %scan3A_113, %mul3A_126 : i32
      %swap3A_128 = arith.index_cast %mul3A_127 : i32 to index
      %swap3A_129 = tpu.vector_load %arg12[%swap3A_128] {strides = array<i32>} : memref<10240xf32, #tpu.memory_space<vmem>>, vector<16xf32>,
      tpu.vector_store %arg12[%swap3A_128], %broadcast_in_dim3A_18 {strides = array<i32>} : memref<10240xf32, #tpu.memory_space<vmem>>, vector<16xf32>,
      %mul3A_130 = arith.constant 16 : i32
      %mul3A_131 = arith.muli %scan3A_113, %mul3A_130 : i32
      %swap3A_132 = arith.index_cast %mul3A_131 : i32 to index
      %swap3A_133 = tpu.vector_load %arg13[%swap3A_132] {strides = array<i32>} : memref<10240xf32, #tpu.memory_space<vmem>>, vector<16xf32>,
      tpu.vector_store %arg13[%swap3A_132], %broadcast_in_dim3A_18 {strides = array<i32>} : memref<10240xf32, #tpu.memory_space<vmem>>, vector<16xf32>,
      %scan3A_134 = arith.constant 0 : i32
      scf.yield %scan3A_134 : i32
    }
    %scan3A_26 = arith.constant 640 : i32
    %dma_wait3A = arith.constant 0 : i32
    %dma_wait3A_27 = tpu.memref_slice %arg2[%add3A_4, %dma_wait3A] : memref<64x10240xi32, #tpu.memory_space<hbm>> -> memref<1x10240xi32, #tpu.memory_space<hbm>>
    %dma_wait3A_28 = tpu.memref_squeeze %dma_wait3A_27 : memref<1x10240xi32, #tpu.memory_space<hbm>> -> memref<10240xi32, #tpu.memory_space<hbm>>
    %dma_wait3A_29 = arith.constant 0 : i32
    %dma_wait3A_30 = tpu.memref_slice %arg2[%add3A_4, %dma_wait3A_29] : memref<64x10240xi32, #tpu.memory_space<hbm>> -> memref<1x10240xi32, #tpu.memory_space<hbm>>
    %dma_wait3A_31 = tpu.memref_squeeze %dma_wait3A_30 : memref<1x10240xi32, #tpu.memory_space<hbm>> -> memref<10240xi32, #tpu.memory_space<hbm>>
    tpu.wait_dma2 semaphore(%arg20 : memref<!tpu.dma_semaphore, #tpu.memory_space<semaphore_mem>>) src(%dma_wait3A_31 : memref<10240xi32, #tpu.memory_space<hbm>>) dst(%arg7 : memref<10240xi32, #tpu.memory_space<vmem>>)
    %dma_wait3A_32 = arith.constant 0 : i32
    %dma_wait3A_33 = tpu.memref_slice %arg2[%add3A_6, %dma_wait3A_32] : memref<64x10240xi32, #tpu.memory_space<hbm>> -> memref<1x10240xi32, #tpu.memory_space<hbm>>
    %dma_wait3A_34 = tpu.memref_squeeze %dma_wait3A_33 : memref<1x10240xi32, #tpu.memory_space<hbm>> -> memref<10240xi32, #tpu.memory_space<hbm>>
    %dma_wait3A_35 = arith.constant 0 : i32
    %dma_wait3A_36 = tpu.memref_slice %arg2[%add3A_6, %dma_wait3A_35] : memref<64x10240xi32, #tpu.memory_space<hbm>> -> memref<1x10240xi32, #tpu.memory_space<hbm>>
    %dma_wait3A_37 = tpu.memref_squeeze %dma_wait3A_36 : memref<1x10240xi32, #tpu.memory_space<hbm>> -> memref<10240xi32, #tpu.memory_space<hbm>>
    tpu.wait_dma2 semaphore(%arg20 : memref<!tpu.dma_semaphore, #tpu.memory_space<semaphore_mem>>) src(%dma_wait3A_37 : memref<10240xi32, #tpu.memory_space<hbm>>) dst(%arg8 : memref<10240xi32, #tpu.memory_space<vmem>>)
    %dma_start3A_38 = arith.constant 0 : i32
    %dma_start3A_39 = tpu.memref_slice %arg3[%dma_start3A_38] : memref<320000xi32, #tpu.memory_space<hbm>> -> memref<8000xi32, #tpu.memory_space<hbm>>
    %dma_start3A_40 = arith.constant 0 : i32
    %dma_start3A_41 = tpu.memref_slice %arg3[%dma_start3A_40] : memref<320000xi32, #tpu.memory_space<hbm>> -> memref<8000xi32, #tpu.memory_space<hbm>>
    tpu.enqueue_dma source(%dma_start3A_41 : memref<8000xi32, #tpu.memory_space<hbm>>) target(%arg14 : memref<8000xi32, #tpu.memory_space<vmem>>) target_semaphore(%arg21 : memref<!tpu.dma_semaphore, #tpu.memory_space<semaphore_mem>>)
    %dma_start3A_42 = arith.constant 0 : i32
    %dma_start3A_43 = tpu.memref_slice %arg4[%dma_start3A_42] : memref<320000xf32, #tpu.memory_space<hbm>> -> memref<8000xf32, #tpu.memory_space<hbm>>
    %dma_start3A_44 = arith.constant 0 : i32
    %dma_start3A_45 = tpu.memref_slice %arg4[%dma_start3A_44] : memref<320000xf32, #tpu.memory_space<hbm>> -> memref<8000xf32, #tpu.memory_space<hbm>>
    tpu.enqueue_dma source(%dma_start3A_45 : memref<8000xf32, #tpu.memory_space<hbm>>) target(%arg16 : memref<8000xf32, #tpu.memory_space<vmem>>) target_semaphore(%arg21 : memref<!tpu.dma_semaphore, #tpu.memory_space<semaphore_mem>>)
    %scan3A_46 = arith.constant 0 : i32
    %scan3A_47 = arith.constant 0 : i32
    %scan3A_48 = arith.constant 20 : i32
    %scan3A_49 = arith.addi %scan3A_47, %scan3A_48 : i32
    %scan3A_50 = arith.constant 1 : i32
    %scan3A_51 = scf.for %scan3A_113 = %scan3A_47 to %scan3A_49 step %scan3A_50 iter_args(%scan3A_114 = %scan3A_46) -> (i32)  : i32 {
      %mul3A_115 = arith.constant 2 : i32
      %mul3A_116 = arith.muli %scan3A_113, %mul3A_115 : i32
      %dma_wait3A_117 = arith.constant 0 : i32
      %dma_wait3A_118 = tpu.memref_slice %arg3[%dma_wait3A_117] : memref<320000xi32, #tpu.memory_space<hbm>> -> memref<8000xi32, #tpu.memory_space<hbm>>
      %dma_wait3A_119 = arith.constant 0 : i32
      %dma_wait3A_120 = tpu.memref_slice %arg3[%dma_wait3A_119] : memref<320000xi32, #tpu.memory_space<hbm>> -> memref<8000xi32, #tpu.memory_space<hbm>>
      tpu.wait_dma2 semaphore(%arg21 : memref<!tpu.dma_semaphore, #tpu.memory_space<semaphore_mem>>) src(%dma_wait3A_120 : memref<8000xi32, #tpu.memory_space<hbm>>) dst(%arg14 : memref<8000xi32, #tpu.memory_space<vmem>>)
      %dma_wait3A_121 = arith.constant 0 : i32
      %dma_wait3A_122 = tpu.memref_slice %arg4[%dma_wait3A_121] : memref<320000xf32, #tpu.memory_space<hbm>> -> memref<8000xf32, #tpu.memory_space<hbm>>
      %dma_wait3A_123 = arith.constant 0 : i32
      %dma_wait3A_124 = tpu.memref_slice %arg4[%dma_wait3A_123] : memref<320000xf32, #tpu.memory_space<hbm>> -> memref<8000xf32, #tpu.memory_space<hbm>>
      tpu.wait_dma2 semaphore(%arg21 : memref<!tpu.dma_semaphore, #tpu.memory_space<semaphore_mem>>) src(%dma_wait3A_124 : memref<8000xf32, #tpu.memory_space<hbm>>) dst(%arg16 : memref<8000xf32, #tpu.memory_space<vmem>>)
      %add3A_125 = arith.constant 1 : i32
      %add3A_126 = arith.addi %mul3A_116, %add3A_125 : i32
      %lt3A = arith.constant 40 : i32
      %lt3A_127 = arith.cmpi slt, %add3A_126, %lt3A : i32
      %convert_element_type3A = arith.extui %lt3A_127 : i1 to i32
      %cond3A = arith.constant 0 : i32
      %cond3A_128 = arith.cmpi ne, %convert_element_type3A, %cond3A : i32
      scf.if %cond3A_128 {
        %add3A_140 = arith.constant 1 : i32
        %add3A_141 = arith.addi %mul3A_116, %add3A_140 : i32
        %mul3A_142 = arith.constant 8000 : i32
        %mul3A_143 = arith.muli %add3A_141, %mul3A_142 : i32
        %dma_start3A_144 = tpu.memref_slice %arg3[%mul3A_143] : memref<320000xi32, #tpu.memory_space<hbm>> -> memref<8000xi32, #tpu.memory_space<hbm>>
        %dma_start3A_145 = tpu.memref_slice %arg3[%mul3A_143] : memref<320000xi32, #tpu.memory_space<hbm>> -> memref<8000xi32, #tpu.memory_space<hbm>>
        tpu.enqueue_dma source(%dma_start3A_145 : memref<8000xi32, #tpu.memory_space<hbm>>) target(%arg15 : memref<8000xi32, #tpu.memory_space<vmem>>) target_semaphore(%arg22 : memref<!tpu.dma_semaphore, #tpu.memory_space<semaphore_mem>>)
        %mul3A_146 = arith.constant 8000 : i32
        %mul3A_147 = arith.muli %add3A_141, %mul3A_146 : i32
        %dma_start3A_148 = tpu.memref_slice %arg4[%mul3A_147] : memref<320000xf32, #tpu.memory_space<hbm>> -> memref<8000xf32, #tpu.memory_space<hbm>>
        %dma_start3A_149 = tpu.memref_slice %arg4[%mul3A_147] : memref<320000xf32, #tpu.memory_space<hbm>> -> memref<8000xf32, #tpu.memory_space<hbm>>
        tpu.enqueue_dma source(%dma_start3A_149 : memref<8000xf32, #tpu.memory_space<hbm>>) target(%arg17 : memref<8000xf32, #tpu.memory_space<vmem>>) target_semaphore(%arg22 : memref<!tpu.dma_semaphore, #tpu.memory_space<semaphore_mem>>)
      } else {
      }
      %parallel_loop3A_129 = arith.constant 0 : i32
      %parallel_loop3A_130 = arith.constant 500 : i32
      %parallel_loop3A_131 = arith.constant 1 : i32
      scf.for %parallel_loop3A_140 = %parallel_loop3A_129 to %parallel_loop3A_130 step %parallel_loop3A_131  : i32 {
        %parallel_loop3A_141 = arith.constant 16 : i32
        %parallel_loop3A_142 = arith.muli %parallel_loop3A_140, %parallel_loop3A_141 : i32
        %parallel_loop3A_143 = arith.index_cast %parallel_loop3A_142 : i32 to index
        %parallel_loop3A_144 = tpu.vector_load %arg14[%parallel_loop3A_143] {strides = array<i32>} : memref<8000xi32, #tpu.memory_space<vmem>>, vector<16xi32>,
        %parallel_loop3A_145 = arith.constant 16 : i32
        %parallel_loop3A_146 = arith.muli %parallel_loop3A_140, %parallel_loop3A_145 : i32
        %parallel_loop3A_147 = arith.index_cast %parallel_loop3A_146 : i32 to index
        %parallel_loop3A_148 = tpu.vector_load %arg16[%parallel_loop3A_147] {strides = array<i32>} : memref<8000xf32, #tpu.memory_space<vmem>>, vector<16xf32>,
        %parallel_loop3A_149 = arith.constant 14 : i32
        %parallel_loop3A_150 = vector.broadcast %parallel_loop3A_149 : i32 to vector<16xi32>
        %parallel_loop3A_151 = arith.shrui %parallel_loop3A_144, %parallel_loop3A_150 : vector<16xi32>
        %parallel_loop3A_152 = arith.constant 16383 : i32
        %parallel_loop3A_153 = vector.broadcast %parallel_loop3A_152 : i32 to vector<16xi32>
        %parallel_loop3A_154 = arith.andi %parallel_loop3A_144, %parallel_loop3A_153 : vector<16xi32>
        %parallel_loop3A_155 = tpu.vector_load_idx %arg7[%parallel_loop3A_151] : memref<10240xi32, #tpu.memory_space<vmem>>[vector<16xi32>], vector<16xi32>,
        %parallel_loop3A_156 = arith.constant 16 : i32
        %parallel_loop3A_157 = vector.broadcast %parallel_loop3A_156 : i32 to vector<16xi32>
        %parallel_loop3A_158 = arith.shli %parallel_loop3A_155, %parallel_loop3A_157 : vector<16xi32>
        %parallel_loop3A_159 = vector.bitcast %parallel_loop3A_158 : vector<16xi32> to vector<16xf32>
        %parallel_loop3A_160 = arith.constant -65536 : i32
        %parallel_loop3A_161 = vector.broadcast %parallel_loop3A_160 : i32 to vector<16xi32>
        %parallel_loop3A_162 = arith.andi %parallel_loop3A_155, %parallel_loop3A_161 : vector<16xi32>
        %parallel_loop3A_163 = vector.bitcast %parallel_loop3A_162 : vector<16xi32> to vector<16xf32>
        %parallel_loop3A_164 = arith.mulf %parallel_loop3A_159, %parallel_loop3A_148 : vector<16xf32>
        tpu.vector_store_idx %arg9[%parallel_loop3A_154], %parallel_loop3A_164 {add = true} : memref<10240xf32, #tpu.memory_space<vmem>>[vector<16xi32>], vector<16xf32>,
        %parallel_loop3A_165 = arith.mulf %parallel_loop3A_163, %parallel_loop3A_148 : vector<16xf32>
        tpu.vector_store_idx %arg10[%parallel_loop3A_154], %parallel_loop3A_165 {add = true} : memref<10240xf32, #tpu.memory_space<vmem>>[vector<16xi32>], vector<16xf32>,
        %parallel_loop3A_166 = tpu.vector_load_idx %arg8[%parallel_loop3A_151] : memref<10240xi32, #tpu.memory_space<vmem>>[vector<16xi32>], vector<16xi32>,
        %parallel_loop3A_167 = arith.constant 16 : i32
        %parallel_loop3A_168 = vector.broadcast %parallel_loop3A_167 : i32 to vector<16xi32>
        %parallel_loop3A_169 = arith.shli %parallel_loop3A_166, %parallel_loop3A_168 : vector<16xi32>
        %parallel_loop3A_170 = vector.bitcast %parallel_loop3A_169 : vector<16xi32> to vector<16xf32>
        %parallel_loop3A_171 = arith.constant -65536 : i32
        %parallel_loop3A_172 = vector.broadcast %parallel_loop3A_171 : i32 to vector<16xi32>
        %parallel_loop3A_173 = arith.andi %parallel_loop3A_166, %parallel_loop3A_172 : vector<16xi32>
        %parallel_loop3A_174 = vector.bitcast %parallel_loop3A_173 : vector<16xi32> to vector<16xf32>
        %parallel_loop3A_175 = arith.mulf %parallel_loop3A_170, %parallel_loop3A_148 : vector<16xf32>
        tpu.vector_store_idx %arg11[%parallel_loop3A_154], %parallel_loop3A_175 {add = true} : memref<10240xf32, #tpu.memory_space<vmem>>[vector<16xi32>], vector<16xf32>,
        %parallel_loop3A_176 = arith.mulf %parallel_loop3A_174, %parallel_loop3A_148 : vector<16xf32>
        tpu.vector_store_idx %arg12[%parallel_loop3A_154], %parallel_loop3A_176 {add = true} : memref<10240xf32, #tpu.memory_space<vmem>>[vector<16xi32>], vector<16xf32>,
      } {sc.loop_unroll_factor = 1 : i64, sc.parallel_access}
      %add3A_132 = arith.constant 1 : i32
      %add3A_133 = arith.addi %mul3A_116, %add3A_132 : i32
      %lt3A_134 = arith.constant 40 : i32
      %lt3A_135 = arith.cmpi slt, %add3A_133, %lt3A_134 : i32
      %convert_element_type3A_136 = arith.extui %lt3A_135 : i1 to i32
      %cond3A_137 = arith.constant 0 : i32
      %cond3A_138 = arith.cmpi ne, %convert_element_type3A_136, %cond3A_137 : i32
      scf.if %cond3A_138 {
        %dma_wait3A_140 = arith.constant 0 : i32
        %dma_wait3A_141 = tpu.memref_slice %arg3[%dma_wait3A_140] : memref<320000xi32, #tpu.memory_space<hbm>> -> memref<8000xi32, #tpu.memory_space<hbm>>
        %dma_wait3A_142 = arith.constant 0 : i32
        %dma_wait3A_143 = tpu.memref_slice %arg3[%dma_wait3A_142] : memref<320000xi32, #tpu.memory_space<hbm>> -> memref<8000xi32, #tpu.memory_space<hbm>>
        tpu.wait_dma2 semaphore(%arg22 : memref<!tpu.dma_semaphore, #tpu.memory_space<semaphore_mem>>) src(%dma_wait3A_143 : memref<8000xi32, #tpu.memory_space<hbm>>) dst(%arg15 : memref<8000xi32, #tpu.memory_space<vmem>>)
        %dma_wait3A_144 = arith.constant 0 : i32
        %dma_wait3A_145 = tpu.memref_slice %arg4[%dma_wait3A_144] : memref<320000xf32, #tpu.memory_space<hbm>> -> memref<8000xf32, #tpu.memory_space<hbm>>
        %dma_wait3A_146 = arith.constant 0 : i32
        %dma_wait3A_147 = tpu.memref_slice %arg4[%dma_wait3A_146] : memref<320000xf32, #tpu.memory_space<hbm>> -> memref<8000xf32, #tpu.memory_space<hbm>>
        tpu.wait_dma2 semaphore(%arg22 : memref<!tpu.dma_semaphore, #tpu.memory_space<semaphore_mem>>) src(%dma_wait3A_147 : memref<8000xf32, #tpu.memory_space<hbm>>) dst(%arg17 : memref<8000xf32, #tpu.memory_space<vmem>>)
        %add3A_148 = arith.constant 2 : i32
        %add3A_149 = arith.addi %mul3A_116, %add3A_148 : i32
        %lt3A_150 = arith.constant 40 : i32
        %lt3A_151 = arith.cmpi slt, %add3A_149, %lt3A_150 : i32
        %convert_element_type3A_152 = arith.extui %lt3A_151 : i1 to i32
        %cond3A_153 = arith.constant 0 : i32
        %cond3A_154 = arith.cmpi ne, %convert_element_type3A_152, %cond3A_153 : i32
        scf.if %cond3A_154 {
          %add3A_158 = arith.constant 2 : i32
          %add3A_159 = arith.addi %mul3A_116, %add3A_158 : i32
          %mul3A_160 = arith.constant 8000 : i32
          %mul3A_161 = arith.muli %add3A_159, %mul3A_160 : i32
          %dma_start3A_162 = tpu.memref_slice %arg3[%mul3A_161] : memref<320000xi32, #tpu.memory_space<hbm>> -> memref<8000xi32, #tpu.memory_space<hbm>>
          %dma_start3A_163 = tpu.memref_slice %arg3[%mul3A_161] : memref<320000xi32, #tpu.memory_space<hbm>> -> memref<8000xi32, #tpu.memory_space<hbm>>
          tpu.enqueue_dma source(%dma_start3A_163 : memref<8000xi32, #tpu.memory_space<hbm>>) target(%arg14 : memref<8000xi32, #tpu.memory_space<vmem>>) target_semaphore(%arg21 : memref<!tpu.dma_semaphore, #tpu.memory_space<semaphore_mem>>)
          %mul3A_164 = arith.constant 8000 : i32
          %mul3A_165 = arith.muli %add3A_159, %mul3A_164 : i32
          %dma_start3A_166 = tpu.memref_slice %arg4[%mul3A_165] : memref<320000xf32, #tpu.memory_space<hbm>> -> memref<8000xf32, #tpu.memory_space<hbm>>
          %dma_start3A_167 = tpu.memref_slice %arg4[%mul3A_165] : memref<320000xf32, #tpu.memory_space<hbm>> -> memref<8000xf32, #tpu.memory_space<hbm>>
          tpu.enqueue_dma source(%dma_start3A_167 : memref<8000xf32, #tpu.memory_space<hbm>>) target(%arg16 : memref<8000xf32, #tpu.memory_space<vmem>>) target_semaphore(%arg21 : memref<!tpu.dma_semaphore, #tpu.memory_space<semaphore_mem>>)
        } else {
        }
        %parallel_loop3A_155 = arith.constant 0 : i32
        %parallel_loop3A_156 = arith.constant 500 : i32
        %parallel_loop3A_157 = arith.constant 1 : i32
        scf.for %parallel_loop3A_158 = %parallel_loop3A_155 to %parallel_loop3A_156 step %parallel_loop3A_157  : i32 {
          %parallel_loop3A_159 = arith.constant 16 : i32
          %parallel_loop3A_160 = arith.muli %parallel_loop3A_158, %parallel_loop3A_159 : i32
          %parallel_loop3A_161 = arith.index_cast %parallel_loop3A_160 : i32 to index
          %parallel_loop3A_162 = tpu.vector_load %arg15[%parallel_loop3A_161] {strides = array<i32>} : memref<8000xi32, #tpu.memory_space<vmem>>, vector<16xi32>,
          %parallel_loop3A_163 = arith.constant 16 : i32
          %parallel_loop3A_164 = arith.muli %parallel_loop3A_158, %parallel_loop3A_163 : i32
          %parallel_loop3A_165 = arith.index_cast %parallel_loop3A_164 : i32 to index
          %parallel_loop3A_166 = tpu.vector_load %arg17[%parallel_loop3A_165] {strides = array<i32>} : memref<8000xf32, #tpu.memory_space<vmem>>, vector<16xf32>,
          %parallel_loop3A_167 = arith.constant 14 : i32
          %parallel_loop3A_168 = vector.broadcast %parallel_loop3A_167 : i32 to vector<16xi32>
          %parallel_loop3A_169 = arith.shrui %parallel_loop3A_162, %parallel_loop3A_168 : vector<16xi32>
          %parallel_loop3A_170 = arith.constant 16383 : i32
          %parallel_loop3A_171 = vector.broadcast %parallel_loop3A_170 : i32 to vector<16xi32>
          %parallel_loop3A_172 = arith.andi %parallel_loop3A_162, %parallel_loop3A_171 : vector<16xi32>
          %parallel_loop3A_173 = tpu.vector_load_idx %arg7[%parallel_loop3A_169] : memref<10240xi32, #tpu.memory_space<vmem>>[vector<16xi32>], vector<16xi32>,
          %parallel_loop3A_174 = arith.constant 16 : i32
          %parallel_loop3A_175 = vector.broadcast %parallel_loop3A_174 : i32 to vector<16xi32>
          %parallel_loop3A_176 = arith.shli %parallel_loop3A_173, %parallel_loop3A_175 : vector<16xi32>
          %parallel_loop3A_177 = vector.bitcast %parallel_loop3A_176 : vector<16xi32> to vector<16xf32>
          %parallel_loop3A_178 = arith.constant -65536 : i32
          %parallel_loop3A_179 = vector.broadcast %parallel_loop3A_178 : i32 to vector<16xi32>
          %parallel_loop3A_180 = arith.andi %parallel_loop3A_173, %parallel_loop3A_179 : vector<16xi32>
          %parallel_loop3A_181 = vector.bitcast %parallel_loop3A_180 : vector<16xi32> to vector<16xf32>
          %parallel_loop3A_182 = arith.mulf %parallel_loop3A_177, %parallel_loop3A_166 : vector<16xf32>
          tpu.vector_store_idx %arg9[%parallel_loop3A_172], %parallel_loop3A_182 {add = true} : memref<10240xf32, #tpu.memory_space<vmem>>[vector<16xi32>], vector<16xf32>,
          %parallel_loop3A_183 = arith.mulf %parallel_loop3A_181, %parallel_loop3A_166 : vector<16xf32>
          tpu.vector_store_idx %arg10[%parallel_loop3A_172], %parallel_loop3A_183 {add = true} : memref<10240xf32, #tpu.memory_space<vmem>>[vector<16xi32>], vector<16xf32>,
          %parallel_loop3A_184 = tpu.vector_load_idx %arg8[%parallel_loop3A_169] : memref<10240xi32, #tpu.memory_space<vmem>>[vector<16xi32>], vector<16xi32>,
          %parallel_loop3A_185 = arith.constant 16 : i32
          %parallel_loop3A_186 = vector.broadcast %parallel_loop3A_185 : i32 to vector<16xi32>
          %parallel_loop3A_187 = arith.shli %parallel_loop3A_184, %parallel_loop3A_186 : vector<16xi32>
          %parallel_loop3A_188 = vector.bitcast %parallel_loop3A_187 : vector<16xi32> to vector<16xf32>
          %parallel_loop3A_189 = arith.constant -65536 : i32
          %parallel_loop3A_190 = vector.broadcast %parallel_loop3A_189 : i32 to vector<16xi32>
          %parallel_loop3A_191 = arith.andi %parallel_loop3A_184, %parallel_loop3A_190 : vector<16xi32>
          %parallel_loop3A_192 = vector.bitcast %parallel_loop3A_191 : vector<16xi32> to vector<16xf32>
          %parallel_loop3A_193 = arith.mulf %parallel_loop3A_188, %parallel_loop3A_166 : vector<16xf32>
          tpu.vector_store_idx %arg11[%parallel_loop3A_172], %parallel_loop3A_193 {add = true} : memref<10240xf32, #tpu.memory_space<vmem>>[vector<16xi32>], vector<16xf32>,
          %parallel_loop3A_194 = arith.mulf %parallel_loop3A_192, %parallel_loop3A_166 : vector<16xf32>
          tpu.vector_store_idx %arg12[%parallel_loop3A_172], %parallel_loop3A_194 {add = true} : memref<10240xf32, #tpu.memory_space<vmem>>[vector<16xi32>], vector<16xf32>,
        } {sc.loop_unroll_factor = 1 : i64, sc.parallel_access}
      } else {
      }
      %scan3A_139 = arith.constant 0 : i32
      scf.yield %scan3A_139 : i32
    }
    %scan3A_52 = arith.constant 20 : i32
    %mul3A_53 = arith.constant 2 : i32
    %mul3A_54 = arith.muli %mul3A_53, %add3A : i32
    %mul3A_55 = arith.constant 2 : i32
    %mul3A_56 = arith.muli %mul3A_55, %add3A : i32
    %add3A_57 = arith.constant 64 : i32
    %add3A_58 = arith.addi %mul3A_56, %add3A_57 : i32
    %mul3A_59 = arith.constant 2 : i32
    %mul3A_60 = arith.muli %mul3A_59, %add3A : i32
    %add3A_61 = arith.constant 1 : i32
    %add3A_62 = arith.addi %mul3A_60, %add3A_61 : i32
    %mul3A_63 = arith.constant 2 : i32
    %mul3A_64 = arith.muli %mul3A_63, %add3A : i32
    %add3A_65 = arith.constant 65 : i32
    %add3A_66 = arith.addi %mul3A_64, %add3A_65 : i32
    "tpu.region"() ({
      %run_scoped3A = tpu.sem_alloc : memref<!tpu.dma_semaphore, #tpu.memory_space<semaphore_mem>>
      %dma_start3A_113 = arith.constant 0 : i32
      %dma_start3A_114 = tpu.memref_slice %arg5[%mul3A_54, %dma_start3A_113] : memref<128x10240xf32, #tpu.memory_space<hbm>> -> memref<1x10240xf32, #tpu.memory_space<hbm>>
      %dma_start3A_115 = tpu.memref_squeeze %dma_start3A_114 : memref<1x10240xf32, #tpu.memory_space<hbm>> -> memref<10240xf32, #tpu.memory_space<hbm>>
      %dma_start3A_116 = arith.constant 0 : i32
      %dma_start3A_117 = tpu.memref_slice %arg5[%mul3A_54, %dma_start3A_116] : memref<128x10240xf32, #tpu.memory_space<hbm>> -> memref<1x10240xf32, #tpu.memory_space<hbm>>
      %dma_start3A_118 = tpu.memref_squeeze %dma_start3A_117 : memref<1x10240xf32, #tpu.memory_space<hbm>> -> memref<10240xf32, #tpu.memory_space<hbm>>
      tpu.enqueue_dma source(%arg9 : memref<10240xf32, #tpu.memory_space<vmem>>) target(%dma_start3A_118 : memref<10240xf32, #tpu.memory_space<hbm>>) target_semaphore(%run_scoped3A : memref<!tpu.dma_semaphore, #tpu.memory_space<semaphore_mem>>)
      %dma_wait3A_119 = arith.constant 0 : i32
      %dma_wait3A_120 = tpu.memref_slice %arg5[%mul3A_54, %dma_wait3A_119] : memref<128x10240xf32, #tpu.memory_space<hbm>> -> memref<1x10240xf32, #tpu.memory_space<hbm>>
      %dma_wait3A_121 = tpu.memref_squeeze %dma_wait3A_120 : memref<1x10240xf32, #tpu.memory_space<hbm>> -> memref<10240xf32, #tpu.memory_space<hbm>>
      %dma_wait3A_122 = arith.constant 0 : i32
      %dma_wait3A_123 = tpu.memref_slice %arg5[%mul3A_54, %dma_wait3A_122] : memref<128x10240xf32, #tpu.memory_space<hbm>> -> memref<1x10240xf32, #tpu.memory_space<hbm>>
      %dma_wait3A_124 = tpu.memref_squeeze %dma_wait3A_123 : memref<1x10240xf32, #tpu.memory_space<hbm>> -> memref<10240xf32, #tpu.memory_space<hbm>>
      tpu.wait_dma2 semaphore(%run_scoped3A : memref<!tpu.dma_semaphore, #tpu.memory_space<semaphore_mem>>) src(%arg9 : memref<10240xf32, #tpu.memory_space<vmem>>) dst(%dma_wait3A_124 : memref<10240xf32, #tpu.memory_space<hbm>>)
      tpu.yield
    }) : () -> ()
    "tpu.region"() ({
      %run_scoped3A = tpu.sem_alloc : memref<!tpu.dma_semaphore, #tpu.memory_space<semaphore_mem>>
      %dma_start3A_113 = arith.constant 0 : i32
      %dma_start3A_114 = tpu.memref_slice %arg5[%add3A_58, %dma_start3A_113] : memref<128x10240xf32, #tpu.memory_space<hbm>> -> memref<1x10240xf32, #tpu.memory_space<hbm>>
      %dma_start3A_115 = tpu.memref_squeeze %dma_start3A_114 : memref<1x10240xf32, #tpu.memory_space<hbm>> -> memref<10240xf32, #tpu.memory_space<hbm>>
      %dma_start3A_116 = arith.constant 0 : i32
      %dma_start3A_117 = tpu.memref_slice %arg5[%add3A_58, %dma_start3A_116] : memref<128x10240xf32, #tpu.memory_space<hbm>> -> memref<1x10240xf32, #tpu.memory_space<hbm>>
      %dma_start3A_118 = tpu.memref_squeeze %dma_start3A_117 : memref<1x10240xf32, #tpu.memory_space<hbm>> -> memref<10240xf32, #tpu.memory_space<hbm>>
      tpu.enqueue_dma source(%arg10 : memref<10240xf32, #tpu.memory_space<vmem>>) target(%dma_start3A_118 : memref<10240xf32, #tpu.memory_space<hbm>>) target_semaphore(%run_scoped3A : memref<!tpu.dma_semaphore, #tpu.memory_space<semaphore_mem>>)
      %dma_wait3A_119 = arith.constant 0 : i32
      %dma_wait3A_120 = tpu.memref_slice %arg5[%add3A_58, %dma_wait3A_119] : memref<128x10240xf32, #tpu.memory_space<hbm>> -> memref<1x10240xf32, #tpu.memory_space<hbm>>
      %dma_wait3A_121 = tpu.memref_squeeze %dma_wait3A_120 : memref<1x10240xf32, #tpu.memory_space<hbm>> -> memref<10240xf32, #tpu.memory_space<hbm>>
      %dma_wait3A_122 = arith.constant 0 : i32
      %dma_wait3A_123 = tpu.memref_slice %arg5[%add3A_58, %dma_wait3A_122] : memref<128x10240xf32, #tpu.memory_space<hbm>> -> memref<1x10240xf32, #tpu.memory_space<hbm>>
      %dma_wait3A_124 = tpu.memref_squeeze %dma_wait3A_123 : memref<1x10240xf32, #tpu.memory_space<hbm>> -> memref<10240xf32, #tpu.memory_space<hbm>>
      tpu.wait_dma2 semaphore(%run_scoped3A : memref<!tpu.dma_semaphore, #tpu.memory_space<semaphore_mem>>) src(%arg10 : memref<10240xf32, #tpu.memory_space<vmem>>) dst(%dma_wait3A_124 : memref<10240xf32, #tpu.memory_space<hbm>>)
      tpu.yield
    }) : () -> ()
    "tpu.region"() ({
      %run_scoped3A = tpu.sem_alloc : memref<!tpu.dma_semaphore, #tpu.memory_space<semaphore_mem>>
      %dma_start3A_113 = arith.constant 0 : i32
      %dma_start3A_114 = tpu.memref_slice %arg5[%add3A_62, %dma_start3A_113] : memref<128x10240xf32, #tpu.memory_space<hbm>> -> memref<1x10240xf32, #tpu.memory_space<hbm>>
      %dma_start3A_115 = tpu.memref_squeeze %dma_start3A_114 : memref<1x10240xf32, #tpu.memory_space<hbm>> -> memref<10240xf32, #tpu.memory_space<hbm>>
      %dma_start3A_116 = arith.constant 0 : i32
      %dma_start3A_117 = tpu.memref_slice %arg5[%add3A_62, %dma_start3A_116] : memref<128x10240xf32, #tpu.memory_space<hbm>> -> memref<1x10240xf32, #tpu.memory_space<hbm>>
      %dma_start3A_118 = tpu.memref_squeeze %dma_start3A_117 : memref<1x10240xf32, #tpu.memory_space<hbm>> -> memref<10240xf32, #tpu.memory_space<hbm>>
      tpu.enqueue_dma source(%arg11 : memref<10240xf32, #tpu.memory_space<vmem>>) target(%dma_start3A_118 : memref<10240xf32, #tpu.memory_space<hbm>>) target_semaphore(%run_scoped3A : memref<!tpu.dma_semaphore, #tpu.memory_space<semaphore_mem>>)
      %dma_wait3A_119 = arith.constant 0 : i32
      %dma_wait3A_120 = tpu.memref_slice %arg5[%add3A_62, %dma_wait3A_119] : memref<128x10240xf32, #tpu.memory_space<hbm>> -> memref<1x10240xf32, #tpu.memory_space<hbm>>
      %dma_wait3A_121 = tpu.memref_squeeze %dma_wait3A_120 : memref<1x10240xf32, #tpu.memory_space<hbm>> -> memref<10240xf32, #tpu.memory_space<hbm>>
      %dma_wait3A_122 = arith.constant 0 : i32
      %dma_wait3A_123 = tpu.memref_slice %arg5[%add3A_62, %dma_wait3A_122] : memref<128x10240xf32, #tpu.memory_space<hbm>> -> memref<1x10240xf32, #tpu.memory_space<hbm>>
      %dma_wait3A_124 = tpu.memref_squeeze %dma_wait3A_123 : memref<1x10240xf32, #tpu.memory_space<hbm>> -> memref<10240xf32, #tpu.memory_space<hbm>>
      tpu.wait_dma2 semaphore(%run_scoped3A : memref<!tpu.dma_semaphore, #tpu.memory_space<semaphore_mem>>) src(%arg11 : memref<10240xf32, #tpu.memory_space<vmem>>) dst(%dma_wait3A_124 : memref<10240xf32, #tpu.memory_space<hbm>>)
      tpu.yield
    }) : () -> ()
    "tpu.region"() ({
      %run_scoped3A = tpu.sem_alloc : memref<!tpu.dma_semaphore, #tpu.memory_space<semaphore_mem>>
      %dma_start3A_113 = arith.constant 0 : i32
      %dma_start3A_114 = tpu.memref_slice %arg5[%add3A_66, %dma_start3A_113] : memref<128x10240xf32, #tpu.memory_space<hbm>> -> memref<1x10240xf32, #tpu.memory_space<hbm>>
      %dma_start3A_115 = tpu.memref_squeeze %dma_start3A_114 : memref<1x10240xf32, #tpu.memory_space<hbm>> -> memref<10240xf32, #tpu.memory_space<hbm>>
      %dma_start3A_116 = arith.constant 0 : i32
      %dma_start3A_117 = tpu.memref_slice %arg5[%add3A_66, %dma_start3A_116] : memref<128x10240xf32, #tpu.memory_space<hbm>> -> memref<1x10240xf32, #tpu.memory_space<hbm>>
      %dma_start3A_118 = tpu.memref_squeeze %dma_start3A_117 : memref<1x10240xf32, #tpu.memory_space<hbm>> -> memref<10240xf32, #tpu.memory_space<hbm>>
      tpu.enqueue_dma source(%arg12 : memref<10240xf32, #tpu.memory_space<vmem>>) target(%dma_start3A_118 : memref<10240xf32, #tpu.memory_space<hbm>>) target_semaphore(%run_scoped3A : memref<!tpu.dma_semaphore, #tpu.memory_space<semaphore_mem>>)
      %dma_wait3A_119 = arith.constant 0 : i32
      %dma_wait3A_120 = tpu.memref_slice %arg5[%add3A_66, %dma_wait3A_119] : memref<128x10240xf32, #tpu.memory_space<hbm>> -> memref<1x10240xf32, #tpu.memory_space<hbm>>
      %dma_wait3A_121 = tpu.memref_squeeze %dma_wait3A_120 : memref<1x10240xf32, #tpu.memory_space<hbm>> -> memref<10240xf32, #tpu.memory_space<hbm>>
      %dma_wait3A_122 = arith.constant 0 : i32
      %dma_wait3A_123 = tpu.memref_slice %arg5[%add3A_66, %dma_wait3A_122] : memref<128x10240xf32, #tpu.memory_space<hbm>> -> memref<1x10240xf32, #tpu.memory_space<hbm>>
      %dma_wait3A_124 = tpu.memref_squeeze %dma_wait3A_123 : memref<1x10240xf32, #tpu.memory_space<hbm>> -> memref<10240xf32, #tpu.memory_space<hbm>>
      tpu.wait_dma2 semaphore(%run_scoped3A : memref<!tpu.dma_semaphore, #tpu.memory_space<semaphore_mem>>) src(%arg12 : memref<10240xf32, #tpu.memory_space<vmem>>) dst(%dma_wait3A_124 : memref<10240xf32, #tpu.memory_space<hbm>>)
      tpu.yield
    }) : () -> ()
    %mul3A_67 = arith.constant 10000 : i32
    %mul3A_68 = arith.muli %add3A, %mul3A_67 : i32
    %add3A_69 = arith.constant 0 : i32
    %add3A_70 = arith.addi %mul3A_68, %add3A_69 : i32
    %add3A_71 = arith.constant 2000 : i32
    %add3A_72 = arith.addi %mul3A_68, %add3A_71 : i32
    %add3A_73 = arith.constant 4000 : i32
    %add3A_74 = arith.addi %mul3A_68, %add3A_73 : i32
    %add3A_75 = arith.constant 6000 : i32
    %add3A_76 = arith.addi %mul3A_68, %add3A_75 : i32
    %add3A_77 = arith.constant 8000 : i32
    %add3A_78 = arith.addi %mul3A_68, %add3A_77 : i32
    %dma_start3A_79 = tpu.memref_slice %arg3[%add3A_70] : memref<320000xi32, #tpu.memory_space<hbm>> -> memref<2000xi32, #tpu.memory_space<hbm>>
    %dma_start3A_80 = tpu.memref_slice %arg3[%add3A_70] : memref<320000xi32, #tpu.memory_space<hbm>> -> memref<2000xi32, #tpu.memory_space<hbm>>
    tpu.enqueue_dma source(%dma_start3A_80 : memref<2000xi32, #tpu.memory_space<hbm>>) target(%arg18 : memref<2000xi32, #tpu.memory_space<vmem>>) target_semaphore(%arg21 : memref<!tpu.dma_semaphore, #tpu.memory_space<semaphore_mem>>)
    %dma_start3A_81 = tpu.memref_slice %arg3[%add3A_72] : memref<320000xi32, #tpu.memory_space<hbm>> -> memref<2000xi32, #tpu.memory_space<hbm>>
    %dma_start3A_82 = tpu.memref_slice %arg3[%add3A_72] : memref<320000xi32, #tpu.memory_space<hbm>> -> memref<2000xi32, #tpu.memory_space<hbm>>
    tpu.enqueue_dma source(%dma_start3A_82 : memref<2000xi32, #tpu.memory_space<hbm>>) target(%arg19 : memref<2000xi32, #tpu.memory_space<vmem>>) target_semaphore(%arg22 : memref<!tpu.dma_semaphore, #tpu.memory_space<semaphore_mem>>)
    %dma_wait3A_83 = tpu.memref_slice %arg3[%add3A_70] : memref<320000xi32, #tpu.memory_space<hbm>> -> memref<2000xi32, #tpu.memory_space<hbm>>
    %dma_wait3A_84 = tpu.memref_slice %arg3[%add3A_70] : memref<320000xi32, #tpu.memory_space<hbm>> -> memref<2000xi32, #tpu.memory_space<hbm>>
    tpu.wait_dma2 semaphore(%arg21 : memref<!tpu.dma_semaphore, #tpu.memory_space<semaphore_mem>>) src(%dma_wait3A_84 : memref<2000xi32, #tpu.memory_space<hbm>>) dst(%arg18 : memref<2000xi32, #tpu.memory_space<vmem>>)
    %parallel_loop3A = arith.constant 0 : i32
    %parallel_loop3A_85 = arith.constant 125 : i32
    %parallel_loop3A_86 = arith.constant 1 : i32
    scf.for %parallel_loop3A_113 = %parallel_loop3A to %parallel_loop3A_85 step %parallel_loop3A_86  : i32 {
      %parallel_loop3A_114 = arith.constant 16 : i32
      %parallel_loop3A_115 = arith.muli %parallel_loop3A_113, %parallel_loop3A_114 : i32
      %parallel_loop3A_116 = arith.index_cast %parallel_loop3A_115 : i32 to index
      %parallel_loop3A_117 = tpu.vector_load %arg18[%parallel_loop3A_116] {strides = array<i32>} : memref<2000xi32, #tpu.memory_space<vmem>>, vector<16xi32>,
      %parallel_loop3A_118 = arith.constant 16383 : i32
      %parallel_loop3A_119 = vector.broadcast %parallel_loop3A_118 : i32 to vector<16xi32>
      %parallel_loop3A_120 = arith.andi %parallel_loop3A_117, %parallel_loop3A_119 : vector<16xi32>
      tpu.vector_store_idx %arg13[%parallel_loop3A_120], %broadcast_in_dim3A_20 {add = true} : memref<10240xf32, #tpu.memory_space<vmem>>[vector<16xi32>], vector<16xf32>,
    } {sc.loop_unroll_factor = 1 : i64, sc.parallel_access}
    %dma_start3A_87 = tpu.memref_slice %arg3[%add3A_74] : memref<320000xi32, #tpu.memory_space<hbm>> -> memref<2000xi32, #tpu.memory_space<hbm>>
    %dma_start3A_88 = tpu.memref_slice %arg3[%add3A_74] : memref<320000xi32, #tpu.memory_space<hbm>> -> memref<2000xi32, #tpu.memory_space<hbm>>
    tpu.enqueue_dma source(%dma_start3A_88 : memref<2000xi32, #tpu.memory_space<hbm>>) target(%arg18 : memref<2000xi32, #tpu.memory_space<vmem>>) target_semaphore(%arg21 : memref<!tpu.dma_semaphore, #tpu.memory_space<semaphore_mem>>)
    %dma_wait3A_89 = tpu.memref_slice %arg3[%add3A_72] : memref<320000xi32, #tpu.memory_space<hbm>> -> memref<2000xi32, #tpu.memory_space<hbm>>
    %dma_wait3A_90 = tpu.memref_slice %arg3[%add3A_72] : memref<320000xi32, #tpu.memory_space<hbm>> -> memref<2000xi32, #tpu.memory_space<hbm>>
    tpu.wait_dma2 semaphore(%arg22 : memref<!tpu.dma_semaphore, #tpu.memory_space<semaphore_mem>>) src(%dma_wait3A_90 : memref<2000xi32, #tpu.memory_space<hbm>>) dst(%arg19 : memref<2000xi32, #tpu.memory_space<vmem>>)
    %parallel_loop3A_91 = arith.constant 0 : i32
    %parallel_loop3A_92 = arith.constant 125 : i32
    %parallel_loop3A_93 = arith.constant 1 : i32
    scf.for %parallel_loop3A_113 = %parallel_loop3A_91 to %parallel_loop3A_92 step %parallel_loop3A_93  : i32 {
      %parallel_loop3A_114 = arith.constant 16 : i32
      %parallel_loop3A_115 = arith.muli %parallel_loop3A_113, %parallel_loop3A_114 : i32
      %parallel_loop3A_116 = arith.index_cast %parallel_loop3A_115 : i32 to index
      %parallel_loop3A_117 = tpu.vector_load %arg19[%parallel_loop3A_116] {strides = array<i32>} : memref<2000xi32, #tpu.memory_space<vmem>>, vector<16xi32>,
      %parallel_loop3A_118 = arith.constant 16383 : i32
      %parallel_loop3A_119 = vector.broadcast %parallel_loop3A_118 : i32 to vector<16xi32>
      %parallel_loop3A_120 = arith.andi %parallel_loop3A_117, %parallel_loop3A_119 : vector<16xi32>
      tpu.vector_store_idx %arg13[%parallel_loop3A_120], %broadcast_in_dim3A_20 {add = true} : memref<10240xf32, #tpu.memory_space<vmem>>[vector<16xi32>], vector<16xf32>,
    } {sc.loop_unroll_factor = 1 : i64, sc.parallel_access}
    %dma_start3A_94 = tpu.memref_slice %arg3[%add3A_76] : memref<320000xi32, #tpu.memory_space<hbm>> -> memref<2000xi32, #tpu.memory_space<hbm>>
    %dma_start3A_95 = tpu.memref_slice %arg3[%add3A_76] : memref<320000xi32, #tpu.memory_space<hbm>> -> memref<2000xi32, #tpu.memory_space<hbm>>
    tpu.enqueue_dma source(%dma_start3A_95 : memref<2000xi32, #tpu.memory_space<hbm>>) target(%arg19 : memref<2000xi32, #tpu.memory_space<vmem>>) target_semaphore(%arg22 : memref<!tpu.dma_semaphore, #tpu.memory_space<semaphore_mem>>)
    %dma_wait3A_96 = tpu.memref_slice %arg3[%add3A_74] : memref<320000xi32, #tpu.memory_space<hbm>> -> memref<2000xi32, #tpu.memory_space<hbm>>
    %dma_wait3A_97 = tpu.memref_slice %arg3[%add3A_74] : memref<320000xi32, #tpu.memory_space<hbm>> -> memref<2000xi32, #tpu.memory_space<hbm>>
    tpu.wait_dma2 semaphore(%arg21 : memref<!tpu.dma_semaphore, #tpu.memory_space<semaphore_mem>>) src(%dma_wait3A_97 : memref<2000xi32, #tpu.memory_space<hbm>>) dst(%arg18 : memref<2000xi32, #tpu.memory_space<vmem>>)
    %parallel_loop3A_98 = arith.constant 0 : i32
    %parallel_loop3A_99 = arith.constant 125 : i32
    %parallel_loop3A_100 = arith.constant 1 : i32
    scf.for %parallel_loop3A_113 = %parallel_loop3A_98 to %parallel_loop3A_99 step %parallel_loop3A_100  : i32 {
      %parallel_loop3A_114 = arith.constant 16 : i32
      %parallel_loop3A_115 = arith.muli %parallel_loop3A_113, %parallel_loop3A_114 : i32
      %parallel_loop3A_116 = arith.index_cast %parallel_loop3A_115 : i32 to index
      %parallel_loop3A_117 = tpu.vector_load %arg18[%parallel_loop3A_116] {strides = array<i32>} : memref<2000xi32, #tpu.memory_space<vmem>>, vector<16xi32>,
      %parallel_loop3A_118 = arith.constant 16383 : i32
      %parallel_loop3A_119 = vector.broadcast %parallel_loop3A_118 : i32 to vector<16xi32>
      %parallel_loop3A_120 = arith.andi %parallel_loop3A_117, %parallel_loop3A_119 : vector<16xi32>
      tpu.vector_store_idx %arg13[%parallel_loop3A_120], %broadcast_in_dim3A_20 {add = true} : memref<10240xf32, #tpu.memory_space<vmem>>[vector<16xi32>], vector<16xf32>,
    } {sc.loop_unroll_factor = 1 : i64, sc.parallel_access}
    %dma_start3A_101 = tpu.memref_slice %arg3[%add3A_78] : memref<320000xi32, #tpu.memory_space<hbm>> -> memref<2000xi32, #tpu.memory_space<hbm>>
    %dma_start3A_102 = tpu.memref_slice %arg3[%add3A_78] : memref<320000xi32, #tpu.memory_space<hbm>> -> memref<2000xi32, #tpu.memory_space<hbm>>
    tpu.enqueue_dma source(%dma_start3A_102 : memref<2000xi32, #tpu.memory_space<hbm>>) target(%arg18 : memref<2000xi32, #tpu.memory_space<vmem>>) target_semaphore(%arg21 : memref<!tpu.dma_semaphore, #tpu.memory_space<semaphore_mem>>)
    %dma_wait3A_103 = tpu.memref_slice %arg3[%add3A_76] : memref<320000xi32, #tpu.memory_space<hbm>> -> memref<2000xi32, #tpu.memory_space<hbm>>
    %dma_wait3A_104 = tpu.memref_slice %arg3[%add3A_76] : memref<320000xi32, #tpu.memory_space<hbm>> -> memref<2000xi32, #tpu.memory_space<hbm>>
    tpu.wait_dma2 semaphore(%arg22 : memref<!tpu.dma_semaphore, #tpu.memory_space<semaphore_mem>>) src(%dma_wait3A_104 : memref<2000xi32, #tpu.memory_space<hbm>>) dst(%arg19 : memref<2000xi32, #tpu.memory_space<vmem>>)
    %parallel_loop3A_105 = arith.constant 0 : i32
    %parallel_loop3A_106 = arith.constant 125 : i32
    %parallel_loop3A_107 = arith.constant 1 : i32
    scf.for %parallel_loop3A_113 = %parallel_loop3A_105 to %parallel_loop3A_106 step %parallel_loop3A_107  : i32 {
      %parallel_loop3A_114 = arith.constant 16 : i32
      %parallel_loop3A_115 = arith.muli %parallel_loop3A_113, %parallel_loop3A_114 : i32
      %parallel_loop3A_116 = arith.index_cast %parallel_loop3A_115 : i32 to index
      %parallel_loop3A_117 = tpu.vector_load %arg19[%parallel_loop3A_116] {strides = array<i32>} : memref<2000xi32, #tpu.memory_space<vmem>>, vector<16xi32>,
      %parallel_loop3A_118 = arith.constant 16383 : i32
      %parallel_loop3A_119 = vector.broadcast %parallel_loop3A_118 : i32 to vector<16xi32>
      %parallel_loop3A_120 = arith.andi %parallel_loop3A_117, %parallel_loop3A_119 : vector<16xi32>
      tpu.vector_store_idx %arg13[%parallel_loop3A_120], %broadcast_in_dim3A_20 {add = true} : memref<10240xf32, #tpu.memory_space<vmem>>[vector<16xi32>], vector<16xf32>,
    } {sc.loop_unroll_factor = 1 : i64, sc.parallel_access}
    %dma_wait3A_108 = tpu.memref_slice %arg3[%add3A_78] : memref<320000xi32, #tpu.memory_space<hbm>> -> memref<2000xi32, #tpu.memory_space<hbm>>
    %dma_wait3A_109 = tpu.memref_slice %arg3[%add3A_78] : memref<320000xi32, #tpu.memory_space<hbm>> -> memref<2000xi32, #tpu.memory_space<hbm>>
    tpu.wait_dma2 semaphore(%arg21 : memref<!tpu.dma_semaphore, #tpu.memory_space<semaphore_mem>>) src(%dma_wait3A_109 : memref<2000xi32, #tpu.memory_space<hbm>>) dst(%arg18 : memref<2000xi32, #tpu.memory_space<vmem>>)
    %parallel_loop3A_110 = arith.constant 0 : i32
    %parallel_loop3A_111 = arith.constant 125 : i32
    %parallel_loop3A_112 = arith.constant 1 : i32
    scf.for %parallel_loop3A_113 = %parallel_loop3A_110 to %parallel_loop3A_111 step %parallel_loop3A_112  : i32 {
      %parallel_loop3A_114 = arith.constant 16 : i32
      %parallel_loop3A_115 = arith.muli %parallel_loop3A_113, %parallel_loop3A_114 : i32
      %parallel_loop3A_116 = arith.index_cast %parallel_loop3A_115 : i32 to index
      %parallel_loop3A_117 = tpu.vector_load %arg18[%parallel_loop3A_116] {strides = array<i32>} : memref<2000xi32, #tpu.memory_space<vmem>>, vector<16xi32>,
      %parallel_loop3A_118 = arith.constant 16383 : i32
      %parallel_loop3A_119 = vector.broadcast %parallel_loop3A_118 : i32 to vector<16xi32>
      %parallel_loop3A_120 = arith.andi %parallel_loop3A_117, %parallel_loop3A_119 : vector<16xi32>
      tpu.vector_store_idx %arg13[%parallel_loop3A_120], %broadcast_in_dim3A_20 {add = true} : memref<10240xf32, #tpu.memory_space<vmem>>[vector<16xi32>], vector<16xf32>,
    } {sc.loop_unroll_factor = 1 : i64, sc.parallel_access}
    "tpu.region"() ({
      %run_scoped3A = tpu.sem_alloc : memref<!tpu.dma_semaphore, #tpu.memory_space<semaphore_mem>>
      %dma_start3A_113 = arith.constant 0 : i32
      %dma_start3A_114 = tpu.memref_slice %arg6[%add3A, %dma_start3A_113] : memref<32x10240xf32, #tpu.memory_space<hbm>> -> memref<1x10240xf32, #tpu.memory_space<hbm>>
      %dma_start3A_115 = tpu.memref_squeeze %dma_start3A_114 : memref<1x10240xf32, #tpu.memory_space<hbm>> -> memref<10240xf32, #tpu.memory_space<hbm>>
      %dma_start3A_116 = arith.constant 0 : i32
      %dma_start3A_117 = tpu.memref_slice %arg6[%add3A, %dma_start3A_116] : memref<32x10240xf32, #tpu.memory_space<hbm>> -> memref<1x10240xf32, #tpu.memory_space<hbm>>
      %dma_start3A_118 = tpu.memref_squeeze %dma_start3A_117 : memref<1x10240xf32, #tpu.memory_space<hbm>> -> memref<10240xf32, #tpu.memory_space<hbm>>
      tpu.enqueue_dma source(%arg13 : memref<10240xf32, #tpu.memory_space<vmem>>) target(%dma_start3A_118 : memref<10240xf32, #tpu.memory_space<hbm>>) target_semaphore(%run_scoped3A : memref<!tpu.dma_semaphore, #tpu.memory_space<semaphore_mem>>)
      %dma_wait3A_119 = arith.constant 0 : i32
      %dma_wait3A_120 = tpu.memref_slice %arg6[%add3A, %dma_wait3A_119] : memref<32x10240xf32, #tpu.memory_space<hbm>> -> memref<1x10240xf32, #tpu.memory_space<hbm>>
      %dma_wait3A_121 = tpu.memref_squeeze %dma_wait3A_120 : memref<1x10240xf32, #tpu.memory_space<hbm>> -> memref<10240xf32, #tpu.memory_space<hbm>>
      %dma_wait3A_122 = arith.constant 0 : i32
      %dma_wait3A_123 = tpu.memref_slice %arg6[%add3A, %dma_wait3A_122] : memref<32x10240xf32, #tpu.memory_space<hbm>> -> memref<1x10240xf32, #tpu.memory_space<hbm>>
      %dma_wait3A_124 = tpu.memref_squeeze %dma_wait3A_123 : memref<1x10240xf32, #tpu.memory_space<hbm>> -> memref<10240xf32, #tpu.memory_space<hbm>>
      tpu.wait_dma2 semaphore(%run_scoped3A : memref<!tpu.dma_semaphore, #tpu.memory_space<semaphore_mem>>) src(%arg13 : memref<10240xf32, #tpu.memory_space<vmem>>) dst(%dma_wait3A_124 : memref<10240xf32, #tpu.memory_space<hbm>>)
      tpu.yield
    }) : () -> ()
    return
  }
}

#map = affine_map<(d0, d1) -> (0, 0)>
#map1 = affine_map<(d0, d1) -> (0)>
module attributes {stable_mosaic.version = 14 : i64} {
  func.func @body(%arg0: i32, %arg1: i32, %arg2: memref<64x10240xi32, #tpu.memory_space<hbm>>, %arg3: memref<320000xi32, #tpu.memory_space<hbm>>, %arg4: memref<320000xf32, #tpu.memory_space<hbm>>, %arg5: memref<128x10240xf32, #tpu.memory_space<hbm>>, %arg6: memref<10240xi32, #tpu.memory_space<vmem>>, %arg7: memref<10240xi32, #tpu.memory_space<vmem>>, %arg8: memref<10240xf32, #tpu.memory_space<vmem>>, %arg9: memref<10240xf32, #tpu.memory_space<vmem>>, %arg10: memref<10240xf32, #tpu.memory_space<vmem>>, %arg11: memref<10240xf32, #tpu.memory_space<vmem>>, %arg12: memref<10240xf32, #tpu.memory_space<vmem>>, %arg13: memref<8000xi32, #tpu.memory_space<vmem>>, %arg14: memref<8000xi32, #tpu.memory_space<vmem>>, %arg15: memref<8000xf32, #tpu.memory_space<vmem>>, %arg16: memref<8000xf32, #tpu.memory_space<vmem>>, %arg17: memref<2000xi32, #tpu.memory_space<vmem>>, %arg18: memref<2000xi32, #tpu.memory_space<vmem>>, %arg19: memref<!tpu.dma_semaphore, #tpu.memory_space<semaphore_mem>>, %arg20: memref<!tpu.dma_semaphore, #tpu.memory_space<semaphore_mem>>, %arg21: memref<!tpu.dma_semaphore, #tpu.memory_space<semaphore_mem>>) attributes {dimension_semantics = [#tpu.dimension_semantics<core_parallel>, #tpu.dimension_semantics<subcore_parallel>], iteration_bounds = array<i64: 2, 16>, scalar_prefetch = 0 : i64, scratch_operands = 16 : i64, tpu.core_type = #tpu.core_type<sc_vector_subcore>, window_params = [{transform_indices = #map}, {transform_indices = #map1}, {transform_indices = #map1}, {transform_indices = #map}]} {
    %mul3A = arith.constant 2 : i32
    %mul3A_0 = arith.muli %arg1, %mul3A : i32
    %add3A = arith.addi %mul3A_0, %arg0 : i32
    %mul3A_1 = arith.constant 2 : i32
    %mul3A_2 = arith.muli %add3A, %mul3A_1 : i32
    %add3A_3 = arith.constant 0 : i32
    %add3A_4 = arith.addi %mul3A_2, %add3A_3 : i32
    %add3A_5 = arith.constant 1 : i32
    %add3A_6 = arith.addi %mul3A_2, %add3A_5 : i32
    %dma_start3A = arith.constant 0 : i32
    %dma_start3A_7 = tpu.memref_slice %arg2[%add3A_4, %dma_start3A] : memref<64x10240xi32, #tpu.memory_space<hbm>> -> memref<1x10240xi32, #tpu.memory_space<hbm>>
    %dma_start3A_8 = tpu.memref_squeeze %dma_start3A_7 : memref<1x10240xi32, #tpu.memory_space<hbm>> -> memref<10240xi32, #tpu.memory_space<hbm>>
    %dma_start3A_9 = arith.constant 0 : i32
    %dma_start3A_10 = tpu.memref_slice %arg2[%add3A_4, %dma_start3A_9] : memref<64x10240xi32, #tpu.memory_space<hbm>> -> memref<1x10240xi32, #tpu.memory_space<hbm>>
    %dma_start3A_11 = tpu.memref_squeeze %dma_start3A_10 : memref<1x10240xi32, #tpu.memory_space<hbm>> -> memref<10240xi32, #tpu.memory_space<hbm>>
    tpu.enqueue_dma source(%dma_start3A_11 : memref<10240xi32, #tpu.memory_space<hbm>>) target(%arg6 : memref<10240xi32, #tpu.memory_space<vmem>>) target_semaphore(%arg19 : memref<!tpu.dma_semaphore, #tpu.memory_space<semaphore_mem>>)
    %dma_start3A_12 = arith.constant 0 : i32
    %dma_start3A_13 = tpu.memref_slice %arg2[%add3A_6, %dma_start3A_12] : memref<64x10240xi32, #tpu.memory_space<hbm>> -> memref<1x10240xi32, #tpu.memory_space<hbm>>
    %dma_start3A_14 = tpu.memref_squeeze %dma_start3A_13 : memref<1x10240xi32, #tpu.memory_space<hbm>> -> memref<10240xi32, #tpu.memory_space<hbm>>
    %dma_start3A_15 = arith.constant 0 : i32
    %dma_start3A_16 = tpu.memref_slice %arg2[%add3A_6, %dma_start3A_15] : memref<64x10240xi32, #tpu.memory_space<hbm>> -> memref<1x10240xi32, #tpu.memory_space<hbm>>
    %dma_start3A_17 = tpu.memref_squeeze %dma_start3A_16 : memref<1x10240xi32, #tpu.memory_space<hbm>> -> memref<10240xi32, #tpu.memory_space<hbm>>
    tpu.enqueue_dma source(%dma_start3A_17 : memref<10240xi32, #tpu.memory_space<hbm>>) target(%arg7 : memref<10240xi32, #tpu.memory_space<vmem>>) target_semaphore(%arg19 : memref<!tpu.dma_semaphore, #tpu.memory_space<semaphore_mem>>)
    %broadcast_in_dim3A = arith.constant 0.000000e+00 : f32
    %broadcast_in_dim3A_18 = vector.broadcast %broadcast_in_dim3A : f32 to vector<16xf32>
    %broadcast_in_dim3A_19 = arith.constant 1.000000e+00 : f32
    %broadcast_in_dim3A_20 = vector.broadcast %broadcast_in_dim3A_19 : f32 to vector<16xf32>
    %scan3A = arith.constant 0 : i32
    %scan3A_21 = arith.constant 0 : i32
    %scan3A_22 = arith.constant 640 : i32
    %scan3A_23 = arith.addi %scan3A_21, %scan3A_22 : i32
    %scan3A_24 = arith.constant 1 : i32
    %scan3A_25 = scf.for %scan3A_67 = %scan3A_21 to %scan3A_23 step %scan3A_24 iter_args(%scan3A_68 = %scan3A) -> (i32)  : i32 {
      %mul3A_69 = arith.constant 16 : i32
      %mul3A_70 = arith.muli %scan3A_67, %mul3A_69 : i32
      %swap3A = arith.index_cast %mul3A_70 : i32 to index
      %swap3A_71 = tpu.vector_load %arg8[%swap3A] {strides = array<i32>} : memref<10240xf32, #tpu.memory_space<vmem>>, vector<16xf32>,
      tpu.vector_store %arg8[%swap3A], %broadcast_in_dim3A_18 {strides = array<i32>} : memref<10240xf32, #tpu.memory_space<vmem>>, vector<16xf32>,
      %mul3A_72 = arith.constant 16 : i32
      %mul3A_73 = arith.muli %scan3A_67, %mul3A_72 : i32
      %swap3A_74 = arith.index_cast %mul3A_73 : i32 to index
      %swap3A_75 = tpu.vector_load %arg9[%swap3A_74] {strides = array<i32>} : memref<10240xf32, #tpu.memory_space<vmem>>, vector<16xf32>,
      tpu.vector_store %arg9[%swap3A_74], %broadcast_in_dim3A_18 {strides = array<i32>} : memref<10240xf32, #tpu.memory_space<vmem>>, vector<16xf32>,
      %mul3A_76 = arith.constant 16 : i32
      %mul3A_77 = arith.muli %scan3A_67, %mul3A_76 : i32
      %swap3A_78 = arith.index_cast %mul3A_77 : i32 to index
      %swap3A_79 = tpu.vector_load %arg10[%swap3A_78] {strides = array<i32>} : memref<10240xf32, #tpu.memory_space<vmem>>, vector<16xf32>,
      tpu.vector_store %arg10[%swap3A_78], %broadcast_in_dim3A_18 {strides = array<i32>} : memref<10240xf32, #tpu.memory_space<vmem>>, vector<16xf32>,
      %mul3A_80 = arith.constant 16 : i32
      %mul3A_81 = arith.muli %scan3A_67, %mul3A_80 : i32
      %swap3A_82 = arith.index_cast %mul3A_81 : i32 to index
      %swap3A_83 = tpu.vector_load %arg11[%swap3A_82] {strides = array<i32>} : memref<10240xf32, #tpu.memory_space<vmem>>, vector<16xf32>,
      tpu.vector_store %arg11[%swap3A_82], %broadcast_in_dim3A_18 {strides = array<i32>} : memref<10240xf32, #tpu.memory_space<vmem>>, vector<16xf32>,
      %mul3A_84 = arith.constant 16 : i32
      %mul3A_85 = arith.muli %scan3A_67, %mul3A_84 : i32
      %swap3A_86 = arith.index_cast %mul3A_85 : i32 to index
      %swap3A_87 = tpu.vector_load %arg12[%swap3A_86] {strides = array<i32>} : memref<10240xf32, #tpu.memory_space<vmem>>, vector<16xf32>,
      tpu.vector_store %arg12[%swap3A_86], %broadcast_in_dim3A_18 {strides = array<i32>} : memref<10240xf32, #tpu.memory_space<vmem>>, vector<16xf32>,
      %scan3A_88 = arith.constant 0 : i32
      scf.yield %scan3A_88 : i32
    }
    %scan3A_26 = arith.constant 640 : i32
    %dma_wait3A = arith.constant 0 : i32
    %dma_wait3A_27 = tpu.memref_slice %arg2[%add3A_4, %dma_wait3A] : memref<64x10240xi32, #tpu.memory_space<hbm>> -> memref<1x10240xi32, #tpu.memory_space<hbm>>
    %dma_wait3A_28 = tpu.memref_squeeze %dma_wait3A_27 : memref<1x10240xi32, #tpu.memory_space<hbm>> -> memref<10240xi32, #tpu.memory_space<hbm>>
    %dma_wait3A_29 = arith.constant 0 : i32
    %dma_wait3A_30 = tpu.memref_slice %arg2[%add3A_4, %dma_wait3A_29] : memref<64x10240xi32, #tpu.memory_space<hbm>> -> memref<1x10240xi32, #tpu.memory_space<hbm>>
    %dma_wait3A_31 = tpu.memref_squeeze %dma_wait3A_30 : memref<1x10240xi32, #tpu.memory_space<hbm>> -> memref<10240xi32, #tpu.memory_space<hbm>>
    tpu.wait_dma2 semaphore(%arg19 : memref<!tpu.dma_semaphore, #tpu.memory_space<semaphore_mem>>) src(%dma_wait3A_31 : memref<10240xi32, #tpu.memory_space<hbm>>) dst(%arg6 : memref<10240xi32, #tpu.memory_space<vmem>>)
    %dma_wait3A_32 = arith.constant 0 : i32
    %dma_wait3A_33 = tpu.memref_slice %arg2[%add3A_6, %dma_wait3A_32] : memref<64x10240xi32, #tpu.memory_space<hbm>> -> memref<1x10240xi32, #tpu.memory_space<hbm>>
    %dma_wait3A_34 = tpu.memref_squeeze %dma_wait3A_33 : memref<1x10240xi32, #tpu.memory_space<hbm>> -> memref<10240xi32, #tpu.memory_space<hbm>>
    %dma_wait3A_35 = arith.constant 0 : i32
    %dma_wait3A_36 = tpu.memref_slice %arg2[%add3A_6, %dma_wait3A_35] : memref<64x10240xi32, #tpu.memory_space<hbm>> -> memref<1x10240xi32, #tpu.memory_space<hbm>>
    %dma_wait3A_37 = tpu.memref_squeeze %dma_wait3A_36 : memref<1x10240xi32, #tpu.memory_space<hbm>> -> memref<10240xi32, #tpu.memory_space<hbm>>
    tpu.wait_dma2 semaphore(%arg19 : memref<!tpu.dma_semaphore, #tpu.memory_space<semaphore_mem>>) src(%dma_wait3A_37 : memref<10240xi32, #tpu.memory_space<hbm>>) dst(%arg7 : memref<10240xi32, #tpu.memory_space<vmem>>)
    %dma_start3A_38 = arith.constant 0 : i32
    %dma_start3A_39 = tpu.memref_slice %arg3[%dma_start3A_38] : memref<320000xi32, #tpu.memory_space<hbm>> -> memref<8000xi32, #tpu.memory_space<hbm>>
    %dma_start3A_40 = arith.constant 0 : i32
    %dma_start3A_41 = tpu.memref_slice %arg3[%dma_start3A_40] : memref<320000xi32, #tpu.memory_space<hbm>> -> memref<8000xi32, #tpu.memory_space<hbm>>
    tpu.enqueue_dma source(%dma_start3A_41 : memref<8000xi32, #tpu.memory_space<hbm>>) target(%arg13 : memref<8000xi32, #tpu.memory_space<vmem>>) target_semaphore(%arg20 : memref<!tpu.dma_semaphore, #tpu.memory_space<semaphore_mem>>)
    %dma_start3A_42 = arith.constant 0 : i32
    %dma_start3A_43 = tpu.memref_slice %arg4[%dma_start3A_42] : memref<320000xf32, #tpu.memory_space<hbm>> -> memref<8000xf32, #tpu.memory_space<hbm>>
    %dma_start3A_44 = arith.constant 0 : i32
    %dma_start3A_45 = tpu.memref_slice %arg4[%dma_start3A_44] : memref<320000xf32, #tpu.memory_space<hbm>> -> memref<8000xf32, #tpu.memory_space<hbm>>
    tpu.enqueue_dma source(%dma_start3A_45 : memref<8000xf32, #tpu.memory_space<hbm>>) target(%arg15 : memref<8000xf32, #tpu.memory_space<vmem>>) target_semaphore(%arg20 : memref<!tpu.dma_semaphore, #tpu.memory_space<semaphore_mem>>)
    %scan3A_46 = arith.constant 0 : i32
    %scan3A_47 = arith.constant 0 : i32
    %scan3A_48 = arith.constant 20 : i32
    %scan3A_49 = arith.addi %scan3A_47, %scan3A_48 : i32
    %scan3A_50 = arith.constant 1 : i32
    %scan3A_51 = scf.for %scan3A_67 = %scan3A_47 to %scan3A_49 step %scan3A_50 iter_args(%scan3A_68 = %scan3A_46) -> (i32)  : i32 {
      %mul3A_69 = arith.constant 2 : i32
      %mul3A_70 = arith.muli %scan3A_67, %mul3A_69 : i32
      %dma_wait3A_71 = arith.constant 0 : i32
      %dma_wait3A_72 = tpu.memref_slice %arg3[%dma_wait3A_71] : memref<320000xi32, #tpu.memory_space<hbm>> -> memref<8000xi32, #tpu.memory_space<hbm>>
      %dma_wait3A_73 = arith.constant 0 : i32
      %dma_wait3A_74 = tpu.memref_slice %arg3[%dma_wait3A_73] : memref<320000xi32, #tpu.memory_space<hbm>> -> memref<8000xi32, #tpu.memory_space<hbm>>
      tpu.wait_dma2 semaphore(%arg20 : memref<!tpu.dma_semaphore, #tpu.memory_space<semaphore_mem>>) src(%dma_wait3A_74 : memref<8000xi32, #tpu.memory_space<hbm>>) dst(%arg13 : memref<8000xi32, #tpu.memory_space<vmem>>)
      %dma_wait3A_75 = arith.constant 0 : i32
      %dma_wait3A_76 = tpu.memref_slice %arg4[%dma_wait3A_75] : memref<320000xf32, #tpu.memory_space<hbm>> -> memref<8000xf32, #tpu.memory_space<hbm>>
      %dma_wait3A_77 = arith.constant 0 : i32
      %dma_wait3A_78 = tpu.memref_slice %arg4[%dma_wait3A_77] : memref<320000xf32, #tpu.memory_space<hbm>> -> memref<8000xf32, #tpu.memory_space<hbm>>
      tpu.wait_dma2 semaphore(%arg20 : memref<!tpu.dma_semaphore, #tpu.memory_space<semaphore_mem>>) src(%dma_wait3A_78 : memref<8000xf32, #tpu.memory_space<hbm>>) dst(%arg15 : memref<8000xf32, #tpu.memory_space<vmem>>)
      %add3A_79 = arith.constant 1 : i32
      %add3A_80 = arith.addi %mul3A_70, %add3A_79 : i32
      %lt3A = arith.constant 40 : i32
      %lt3A_81 = arith.cmpi slt, %add3A_80, %lt3A : i32
      %convert_element_type3A = arith.extui %lt3A_81 : i1 to i32
      %cond3A = arith.constant 0 : i32
      %cond3A_82 = arith.cmpi ne, %convert_element_type3A, %cond3A : i32
      scf.if %cond3A_82 {
        %add3A_93 = arith.constant 1 : i32
        %add3A_94 = arith.addi %mul3A_70, %add3A_93 : i32
        %mul3A_95 = arith.constant 8000 : i32
        %mul3A_96 = arith.muli %add3A_94, %mul3A_95 : i32
        %dma_start3A_97 = tpu.memref_slice %arg3[%mul3A_96] : memref<320000xi32, #tpu.memory_space<hbm>> -> memref<8000xi32, #tpu.memory_space<hbm>>
        %dma_start3A_98 = tpu.memref_slice %arg3[%mul3A_96] : memref<320000xi32, #tpu.memory_space<hbm>> -> memref<8000xi32, #tpu.memory_space<hbm>>
        tpu.enqueue_dma source(%dma_start3A_98 : memref<8000xi32, #tpu.memory_space<hbm>>) target(%arg14 : memref<8000xi32, #tpu.memory_space<vmem>>) target_semaphore(%arg21 : memref<!tpu.dma_semaphore, #tpu.memory_space<semaphore_mem>>)
        %mul3A_99 = arith.constant 8000 : i32
        %mul3A_100 = arith.muli %add3A_94, %mul3A_99 : i32
        %dma_start3A_101 = tpu.memref_slice %arg4[%mul3A_100] : memref<320000xf32, #tpu.memory_space<hbm>> -> memref<8000xf32, #tpu.memory_space<hbm>>
        %dma_start3A_102 = tpu.memref_slice %arg4[%mul3A_100] : memref<320000xf32, #tpu.memory_space<hbm>> -> memref<8000xf32, #tpu.memory_space<hbm>>
        tpu.enqueue_dma source(%dma_start3A_102 : memref<8000xf32, #tpu.memory_space<hbm>>) target(%arg16 : memref<8000xf32, #tpu.memory_space<vmem>>) target_semaphore(%arg21 : memref<!tpu.dma_semaphore, #tpu.memory_space<semaphore_mem>>)
      } else {
      }
      %parallel_loop3A = arith.constant 0 : i32
      %parallel_loop3A_83 = arith.constant 500 : i32
      %parallel_loop3A_84 = arith.constant 1 : i32
      scf.for %parallel_loop3A_93 = %parallel_loop3A to %parallel_loop3A_83 step %parallel_loop3A_84  : i32 {
        %parallel_loop3A_94 = arith.constant 16 : i32
        %parallel_loop3A_95 = arith.muli %parallel_loop3A_93, %parallel_loop3A_94 : i32
        %parallel_loop3A_96 = arith.index_cast %parallel_loop3A_95 : i32 to index
        %parallel_loop3A_97 = tpu.vector_load %arg13[%parallel_loop3A_96] {strides = array<i32>} : memref<8000xi32, #tpu.memory_space<vmem>>, vector<16xi32>,
        %parallel_loop3A_98 = arith.constant 16 : i32
        %parallel_loop3A_99 = arith.muli %parallel_loop3A_93, %parallel_loop3A_98 : i32
        %parallel_loop3A_100 = arith.index_cast %parallel_loop3A_99 : i32 to index
        %parallel_loop3A_101 = tpu.vector_load %arg15[%parallel_loop3A_100] {strides = array<i32>} : memref<8000xf32, #tpu.memory_space<vmem>>, vector<16xf32>,
        %parallel_loop3A_102 = arith.constant 14 : i32
        %parallel_loop3A_103 = vector.broadcast %parallel_loop3A_102 : i32 to vector<16xi32>
        %parallel_loop3A_104 = arith.shrui %parallel_loop3A_97, %parallel_loop3A_103 : vector<16xi32>
        %parallel_loop3A_105 = arith.constant 16383 : i32
        %parallel_loop3A_106 = vector.broadcast %parallel_loop3A_105 : i32 to vector<16xi32>
        %parallel_loop3A_107 = arith.andi %parallel_loop3A_97, %parallel_loop3A_106 : vector<16xi32>
        %parallel_loop3A_108 = tpu.vector_load_idx %arg6[%parallel_loop3A_104] : memref<10240xi32, #tpu.memory_space<vmem>>[vector<16xi32>], vector<16xi32>,
        %parallel_loop3A_109 = arith.constant 16 : i32
        %parallel_loop3A_110 = vector.broadcast %parallel_loop3A_109 : i32 to vector<16xi32>
        %parallel_loop3A_111 = arith.shli %parallel_loop3A_108, %parallel_loop3A_110 : vector<16xi32>
        %parallel_loop3A_112 = vector.bitcast %parallel_loop3A_111 : vector<16xi32> to vector<16xf32>
        %parallel_loop3A_113 = arith.constant -65536 : i32
        %parallel_loop3A_114 = vector.broadcast %parallel_loop3A_113 : i32 to vector<16xi32>
        %parallel_loop3A_115 = arith.andi %parallel_loop3A_108, %parallel_loop3A_114 : vector<16xi32>
        %parallel_loop3A_116 = vector.bitcast %parallel_loop3A_115 : vector<16xi32> to vector<16xf32>
        %parallel_loop3A_117 = arith.mulf %parallel_loop3A_112, %parallel_loop3A_101 : vector<16xf32>
        tpu.vector_store_idx %arg8[%parallel_loop3A_107], %parallel_loop3A_117 {add = true} : memref<10240xf32, #tpu.memory_space<vmem>>[vector<16xi32>], vector<16xf32>,
        %parallel_loop3A_118 = arith.mulf %parallel_loop3A_116, %parallel_loop3A_101 : vector<16xf32>
        tpu.vector_store_idx %arg9[%parallel_loop3A_107], %parallel_loop3A_118 {add = true} : memref<10240xf32, #tpu.memory_space<vmem>>[vector<16xi32>], vector<16xf32>,
        %parallel_loop3A_119 = tpu.vector_load_idx %arg7[%parallel_loop3A_104] : memref<10240xi32, #tpu.memory_space<vmem>>[vector<16xi32>], vector<16xi32>,
        %parallel_loop3A_120 = arith.constant 16 : i32
        %parallel_loop3A_121 = vector.broadcast %parallel_loop3A_120 : i32 to vector<16xi32>
        %parallel_loop3A_122 = arith.shli %parallel_loop3A_119, %parallel_loop3A_121 : vector<16xi32>
        %parallel_loop3A_123 = vector.bitcast %parallel_loop3A_122 : vector<16xi32> to vector<16xf32>
        %parallel_loop3A_124 = arith.constant -65536 : i32
        %parallel_loop3A_125 = vector.broadcast %parallel_loop3A_124 : i32 to vector<16xi32>
        %parallel_loop3A_126 = arith.andi %parallel_loop3A_119, %parallel_loop3A_125 : vector<16xi32>
        %parallel_loop3A_127 = vector.bitcast %parallel_loop3A_126 : vector<16xi32> to vector<16xf32>
        %parallel_loop3A_128 = arith.mulf %parallel_loop3A_123, %parallel_loop3A_101 : vector<16xf32>
        tpu.vector_store_idx %arg10[%parallel_loop3A_107], %parallel_loop3A_128 {add = true} : memref<10240xf32, #tpu.memory_space<vmem>>[vector<16xi32>], vector<16xf32>,
        %parallel_loop3A_129 = arith.mulf %parallel_loop3A_127, %parallel_loop3A_101 : vector<16xf32>
        tpu.vector_store_idx %arg11[%parallel_loop3A_107], %parallel_loop3A_129 {add = true} : memref<10240xf32, #tpu.memory_space<vmem>>[vector<16xi32>], vector<16xf32>,
      } {sc.loop_unroll_factor = 1 : i64, sc.parallel_access}
      %add3A_85 = arith.constant 1 : i32
      %add3A_86 = arith.addi %mul3A_70, %add3A_85 : i32
      %lt3A_87 = arith.constant 40 : i32
      %lt3A_88 = arith.cmpi slt, %add3A_86, %lt3A_87 : i32
      %convert_element_type3A_89 = arith.extui %lt3A_88 : i1 to i32
      %cond3A_90 = arith.constant 0 : i32
      %cond3A_91 = arith.cmpi ne, %convert_element_type3A_89, %cond3A_90 : i32
      scf.if %cond3A_91 {
        %dma_wait3A_93 = arith.constant 0 : i32
        %dma_wait3A_94 = tpu.memref_slice %arg3[%dma_wait3A_93] : memref<320000xi32, #tpu.memory_space<hbm>> -> memref<8000xi32, #tpu.memory_space<hbm>>
        %dma_wait3A_95 = arith.constant 0 : i32
        %dma_wait3A_96 = tpu.memref_slice %arg3[%dma_wait3A_95] : memref<320000xi32, #tpu.memory_space<hbm>> -> memref<8000xi32, #tpu.memory_space<hbm>>
        tpu.wait_dma2 semaphore(%arg21 : memref<!tpu.dma_semaphore, #tpu.memory_space<semaphore_mem>>) src(%dma_wait3A_96 : memref<8000xi32, #tpu.memory_space<hbm>>) dst(%arg14 : memref<8000xi32, #tpu.memory_space<vmem>>)
        %dma_wait3A_97 = arith.constant 0 : i32
        %dma_wait3A_98 = tpu.memref_slice %arg4[%dma_wait3A_97] : memref<320000xf32, #tpu.memory_space<hbm>> -> memref<8000xf32, #tpu.memory_space<hbm>>
        %dma_wait3A_99 = arith.constant 0 : i32
        %dma_wait3A_100 = tpu.memref_slice %arg4[%dma_wait3A_99] : memref<320000xf32, #tpu.memory_space<hbm>> -> memref<8000xf32, #tpu.memory_space<hbm>>
        tpu.wait_dma2 semaphore(%arg21 : memref<!tpu.dma_semaphore, #tpu.memory_space<semaphore_mem>>) src(%dma_wait3A_100 : memref<8000xf32, #tpu.memory_space<hbm>>) dst(%arg16 : memref<8000xf32, #tpu.memory_space<vmem>>)
        %add3A_101 = arith.constant 2 : i32
        %add3A_102 = arith.addi %mul3A_70, %add3A_101 : i32
        %lt3A_103 = arith.constant 40 : i32
        %lt3A_104 = arith.cmpi slt, %add3A_102, %lt3A_103 : i32
        %convert_element_type3A_105 = arith.extui %lt3A_104 : i1 to i32
        %cond3A_106 = arith.constant 0 : i32
        %cond3A_107 = arith.cmpi ne, %convert_element_type3A_105, %cond3A_106 : i32
        scf.if %cond3A_107 {
          %add3A_111 = arith.constant 2 : i32
          %add3A_112 = arith.addi %mul3A_70, %add3A_111 : i32
          %mul3A_113 = arith.constant 8000 : i32
          %mul3A_114 = arith.muli %add3A_112, %mul3A_113 : i32
          %dma_start3A_115 = tpu.memref_slice %arg3[%mul3A_114] : memref<320000xi32, #tpu.memory_space<hbm>> -> memref<8000xi32, #tpu.memory_space<hbm>>
          %dma_start3A_116 = tpu.memref_slice %arg3[%mul3A_114] : memref<320000xi32, #tpu.memory_space<hbm>> -> memref<8000xi32, #tpu.memory_space<hbm>>
          tpu.enqueue_dma source(%dma_start3A_116 : memref<8000xi32, #tpu.memory_space<hbm>>) target(%arg13 : memref<8000xi32, #tpu.memory_space<vmem>>) target_semaphore(%arg20 : memref<!tpu.dma_semaphore, #tpu.memory_space<semaphore_mem>>)
          %mul3A_117 = arith.constant 8000 : i32
          %mul3A_118 = arith.muli %add3A_112, %mul3A_117 : i32
          %dma_start3A_119 = tpu.memref_slice %arg4[%mul3A_118] : memref<320000xf32, #tpu.memory_space<hbm>> -> memref<8000xf32, #tpu.memory_space<hbm>>
          %dma_start3A_120 = tpu.memref_slice %arg4[%mul3A_118] : memref<320000xf32, #tpu.memory_space<hbm>> -> memref<8000xf32, #tpu.memory_space<hbm>>
          tpu.enqueue_dma source(%dma_start3A_120 : memref<8000xf32, #tpu.memory_space<hbm>>) target(%arg15 : memref<8000xf32, #tpu.memory_space<vmem>>) target_semaphore(%arg20 : memref<!tpu.dma_semaphore, #tpu.memory_space<semaphore_mem>>)
        } else {
        }
        %parallel_loop3A_108 = arith.constant 0 : i32
        %parallel_loop3A_109 = arith.constant 500 : i32
        %parallel_loop3A_110 = arith.constant 1 : i32
        scf.for %parallel_loop3A_111 = %parallel_loop3A_108 to %parallel_loop3A_109 step %parallel_loop3A_110  : i32 {
          %parallel_loop3A_112 = arith.constant 16 : i32
          %parallel_loop3A_113 = arith.muli %parallel_loop3A_111, %parallel_loop3A_112 : i32
          %parallel_loop3A_114 = arith.index_cast %parallel_loop3A_113 : i32 to index
          %parallel_loop3A_115 = tpu.vector_load %arg14[%parallel_loop3A_114] {strides = array<i32>} : memref<8000xi32, #tpu.memory_space<vmem>>, vector<16xi32>,
          %parallel_loop3A_116 = arith.constant 16 : i32
          %parallel_loop3A_117 = arith.muli %parallel_loop3A_111, %parallel_loop3A_116 : i32
          %parallel_loop3A_118 = arith.index_cast %parallel_loop3A_117 : i32 to index
          %parallel_loop3A_119 = tpu.vector_load %arg16[%parallel_loop3A_118] {strides = array<i32>} : memref<8000xf32, #tpu.memory_space<vmem>>, vector<16xf32>,
          %parallel_loop3A_120 = arith.constant 14 : i32
          %parallel_loop3A_121 = vector.broadcast %parallel_loop3A_120 : i32 to vector<16xi32>
          %parallel_loop3A_122 = arith.shrui %parallel_loop3A_115, %parallel_loop3A_121 : vector<16xi32>
          %parallel_loop3A_123 = arith.constant 16383 : i32
          %parallel_loop3A_124 = vector.broadcast %parallel_loop3A_123 : i32 to vector<16xi32>
          %parallel_loop3A_125 = arith.andi %parallel_loop3A_115, %parallel_loop3A_124 : vector<16xi32>
          %parallel_loop3A_126 = tpu.vector_load_idx %arg6[%parallel_loop3A_122] : memref<10240xi32, #tpu.memory_space<vmem>>[vector<16xi32>], vector<16xi32>,
          %parallel_loop3A_127 = arith.constant 16 : i32
          %parallel_loop3A_128 = vector.broadcast %parallel_loop3A_127 : i32 to vector<16xi32>
          %parallel_loop3A_129 = arith.shli %parallel_loop3A_126, %parallel_loop3A_128 : vector<16xi32>
          %parallel_loop3A_130 = vector.bitcast %parallel_loop3A_129 : vector<16xi32> to vector<16xf32>
          %parallel_loop3A_131 = arith.constant -65536 : i32
          %parallel_loop3A_132 = vector.broadcast %parallel_loop3A_131 : i32 to vector<16xi32>
          %parallel_loop3A_133 = arith.andi %parallel_loop3A_126, %parallel_loop3A_132 : vector<16xi32>
          %parallel_loop3A_134 = vector.bitcast %parallel_loop3A_133 : vector<16xi32> to vector<16xf32>
          %parallel_loop3A_135 = arith.mulf %parallel_loop3A_130, %parallel_loop3A_119 : vector<16xf32>
          tpu.vector_store_idx %arg8[%parallel_loop3A_125], %parallel_loop3A_135 {add = true} : memref<10240xf32, #tpu.memory_space<vmem>>[vector<16xi32>], vector<16xf32>,
          %parallel_loop3A_136 = arith.mulf %parallel_loop3A_134, %parallel_loop3A_119 : vector<16xf32>
          tpu.vector_store_idx %arg9[%parallel_loop3A_125], %parallel_loop3A_136 {add = true} : memref<10240xf32, #tpu.memory_space<vmem>>[vector<16xi32>], vector<16xf32>,
          %parallel_loop3A_137 = tpu.vector_load_idx %arg7[%parallel_loop3A_122] : memref<10240xi32, #tpu.memory_space<vmem>>[vector<16xi32>], vector<16xi32>,
          %parallel_loop3A_138 = arith.constant 16 : i32
          %parallel_loop3A_139 = vector.broadcast %parallel_loop3A_138 : i32 to vector<16xi32>
          %parallel_loop3A_140 = arith.shli %parallel_loop3A_137, %parallel_loop3A_139 : vector<16xi32>
          %parallel_loop3A_141 = vector.bitcast %parallel_loop3A_140 : vector<16xi32> to vector<16xf32>
          %parallel_loop3A_142 = arith.constant -65536 : i32
          %parallel_loop3A_143 = vector.broadcast %parallel_loop3A_142 : i32 to vector<16xi32>
          %parallel_loop3A_144 = arith.andi %parallel_loop3A_137, %parallel_loop3A_143 : vector<16xi32>
          %parallel_loop3A_145 = vector.bitcast %parallel_loop3A_144 : vector<16xi32> to vector<16xf32>
          %parallel_loop3A_146 = arith.mulf %parallel_loop3A_141, %parallel_loop3A_119 : vector<16xf32>
          tpu.vector_store_idx %arg10[%parallel_loop3A_125], %parallel_loop3A_146 {add = true} : memref<10240xf32, #tpu.memory_space<vmem>>[vector<16xi32>], vector<16xf32>,
          %parallel_loop3A_147 = arith.mulf %parallel_loop3A_145, %parallel_loop3A_119 : vector<16xf32>
          tpu.vector_store_idx %arg11[%parallel_loop3A_125], %parallel_loop3A_147 {add = true} : memref<10240xf32, #tpu.memory_space<vmem>>[vector<16xi32>], vector<16xf32>,
        } {sc.loop_unroll_factor = 1 : i64, sc.parallel_access}
      } else {
      }
      %scan3A_92 = arith.constant 0 : i32
      scf.yield %scan3A_92 : i32
    }
    %scan3A_52 = arith.constant 20 : i32
    %mul3A_53 = arith.constant 2 : i32
    %mul3A_54 = arith.muli %mul3A_53, %add3A : i32
    %mul3A_55 = arith.constant 2 : i32
    %mul3A_56 = arith.muli %mul3A_55, %add3A : i32
    %add3A_57 = arith.constant 64 : i32
    %add3A_58 = arith.addi %mul3A_56, %add3A_57 : i32
    %mul3A_59 = arith.constant 2 : i32
    %mul3A_60 = arith.muli %mul3A_59, %add3A : i32
    %add3A_61 = arith.constant 1 : i32
    %add3A_62 = arith.addi %mul3A_60, %add3A_61 : i32
    %mul3A_63 = arith.constant 2 : i32
    %mul3A_64 = arith.muli %mul3A_63, %add3A : i32
    %add3A_65 = arith.constant 65 : i32
    %add3A_66 = arith.addi %mul3A_64, %add3A_65 : i32
    "tpu.region"() ({
      %run_scoped3A = tpu.sem_alloc : memref<!tpu.dma_semaphore, #tpu.memory_space<semaphore_mem>>
      %dma_start3A_67 = arith.constant 0 : i32
      %dma_start3A_68 = tpu.memref_slice %arg5[%mul3A_54, %dma_start3A_67] : memref<128x10240xf32, #tpu.memory_space<hbm>> -> memref<1x10240xf32, #tpu.memory_space<hbm>>
      %dma_start3A_69 = tpu.memref_squeeze %dma_start3A_68 : memref<1x10240xf32, #tpu.memory_space<hbm>> -> memref<10240xf32, #tpu.memory_space<hbm>>
      %dma_start3A_70 = arith.constant 0 : i32
      %dma_start3A_71 = tpu.memref_slice %arg5[%mul3A_54, %dma_start3A_70] : memref<128x10240xf32, #tpu.memory_space<hbm>> -> memref<1x10240xf32, #tpu.memory_space<hbm>>
      %dma_start3A_72 = tpu.memref_squeeze %dma_start3A_71 : memref<1x10240xf32, #tpu.memory_space<hbm>> -> memref<10240xf32, #tpu.memory_space<hbm>>
      tpu.enqueue_dma source(%arg8 : memref<10240xf32, #tpu.memory_space<vmem>>) target(%dma_start3A_72 : memref<10240xf32, #tpu.memory_space<hbm>>) target_semaphore(%run_scoped3A : memref<!tpu.dma_semaphore, #tpu.memory_space<semaphore_mem>>)
      %dma_wait3A_73 = arith.constant 0 : i32
      %dma_wait3A_74 = tpu.memref_slice %arg5[%mul3A_54, %dma_wait3A_73] : memref<128x10240xf32, #tpu.memory_space<hbm>> -> memref<1x10240xf32, #tpu.memory_space<hbm>>
      %dma_wait3A_75 = tpu.memref_squeeze %dma_wait3A_74 : memref<1x10240xf32, #tpu.memory_space<hbm>> -> memref<10240xf32, #tpu.memory_space<hbm>>
      %dma_wait3A_76 = arith.constant 0 : i32
      %dma_wait3A_77 = tpu.memref_slice %arg5[%mul3A_54, %dma_wait3A_76] : memref<128x10240xf32, #tpu.memory_space<hbm>> -> memref<1x10240xf32, #tpu.memory_space<hbm>>
      %dma_wait3A_78 = tpu.memref_squeeze %dma_wait3A_77 : memref<1x10240xf32, #tpu.memory_space<hbm>> -> memref<10240xf32, #tpu.memory_space<hbm>>
      tpu.wait_dma2 semaphore(%run_scoped3A : memref<!tpu.dma_semaphore, #tpu.memory_space<semaphore_mem>>) src(%arg8 : memref<10240xf32, #tpu.memory_space<vmem>>) dst(%dma_wait3A_78 : memref<10240xf32, #tpu.memory_space<hbm>>)
      tpu.yield
    }) : () -> ()
    "tpu.region"() ({
      %run_scoped3A = tpu.sem_alloc : memref<!tpu.dma_semaphore, #tpu.memory_space<semaphore_mem>>
      %dma_start3A_67 = arith.constant 0 : i32
      %dma_start3A_68 = tpu.memref_slice %arg5[%add3A_58, %dma_start3A_67] : memref<128x10240xf32, #tpu.memory_space<hbm>> -> memref<1x10240xf32, #tpu.memory_space<hbm>>
      %dma_start3A_69 = tpu.memref_squeeze %dma_start3A_68 : memref<1x10240xf32, #tpu.memory_space<hbm>> -> memref<10240xf32, #tpu.memory_space<hbm>>
      %dma_start3A_70 = arith.constant 0 : i32
      %dma_start3A_71 = tpu.memref_slice %arg5[%add3A_58, %dma_start3A_70] : memref<128x10240xf32, #tpu.memory_space<hbm>> -> memref<1x10240xf32, #tpu.memory_space<hbm>>
      %dma_start3A_72 = tpu.memref_squeeze %dma_start3A_71 : memref<1x10240xf32, #tpu.memory_space<hbm>> -> memref<10240xf32, #tpu.memory_space<hbm>>
      tpu.enqueue_dma source(%arg9 : memref<10240xf32, #tpu.memory_space<vmem>>) target(%dma_start3A_72 : memref<10240xf32, #tpu.memory_space<hbm>>) target_semaphore(%run_scoped3A : memref<!tpu.dma_semaphore, #tpu.memory_space<semaphore_mem>>)
      %dma_wait3A_73 = arith.constant 0 : i32
      %dma_wait3A_74 = tpu.memref_slice %arg5[%add3A_58, %dma_wait3A_73] : memref<128x10240xf32, #tpu.memory_space<hbm>> -> memref<1x10240xf32, #tpu.memory_space<hbm>>
      %dma_wait3A_75 = tpu.memref_squeeze %dma_wait3A_74 : memref<1x10240xf32, #tpu.memory_space<hbm>> -> memref<10240xf32, #tpu.memory_space<hbm>>
      %dma_wait3A_76 = arith.constant 0 : i32
      %dma_wait3A_77 = tpu.memref_slice %arg5[%add3A_58, %dma_wait3A_76] : memref<128x10240xf32, #tpu.memory_space<hbm>> -> memref<1x10240xf32, #tpu.memory_space<hbm>>
      %dma_wait3A_78 = tpu.memref_squeeze %dma_wait3A_77 : memref<1x10240xf32, #tpu.memory_space<hbm>> -> memref<10240xf32, #tpu.memory_space<hbm>>
      tpu.wait_dma2 semaphore(%run_scoped3A : memref<!tpu.dma_semaphore, #tpu.memory_space<semaphore_mem>>) src(%arg9 : memref<10240xf32, #tpu.memory_space<vmem>>) dst(%dma_wait3A_78 : memref<10240xf32, #tpu.memory_space<hbm>>)
      tpu.yield
    }) : () -> ()
    "tpu.region"() ({
      %run_scoped3A = tpu.sem_alloc : memref<!tpu.dma_semaphore, #tpu.memory_space<semaphore_mem>>
      %dma_start3A_67 = arith.constant 0 : i32
      %dma_start3A_68 = tpu.memref_slice %arg5[%add3A_62, %dma_start3A_67] : memref<128x10240xf32, #tpu.memory_space<hbm>> -> memref<1x10240xf32, #tpu.memory_space<hbm>>
      %dma_start3A_69 = tpu.memref_squeeze %dma_start3A_68 : memref<1x10240xf32, #tpu.memory_space<hbm>> -> memref<10240xf32, #tpu.memory_space<hbm>>
      %dma_start3A_70 = arith.constant 0 : i32
      %dma_start3A_71 = tpu.memref_slice %arg5[%add3A_62, %dma_start3A_70] : memref<128x10240xf32, #tpu.memory_space<hbm>> -> memref<1x10240xf32, #tpu.memory_space<hbm>>
      %dma_start3A_72 = tpu.memref_squeeze %dma_start3A_71 : memref<1x10240xf32, #tpu.memory_space<hbm>> -> memref<10240xf32, #tpu.memory_space<hbm>>
      tpu.enqueue_dma source(%arg10 : memref<10240xf32, #tpu.memory_space<vmem>>) target(%dma_start3A_72 : memref<10240xf32, #tpu.memory_space<hbm>>) target_semaphore(%run_scoped3A : memref<!tpu.dma_semaphore, #tpu.memory_space<semaphore_mem>>)
      %dma_wait3A_73 = arith.constant 0 : i32
      %dma_wait3A_74 = tpu.memref_slice %arg5[%add3A_62, %dma_wait3A_73] : memref<128x10240xf32, #tpu.memory_space<hbm>> -> memref<1x10240xf32, #tpu.memory_space<hbm>>
      %dma_wait3A_75 = tpu.memref_squeeze %dma_wait3A_74 : memref<1x10240xf32, #tpu.memory_space<hbm>> -> memref<10240xf32, #tpu.memory_space<hbm>>
      %dma_wait3A_76 = arith.constant 0 : i32
      %dma_wait3A_77 = tpu.memref_slice %arg5[%add3A_62, %dma_wait3A_76] : memref<128x10240xf32, #tpu.memory_space<hbm>> -> memref<1x10240xf32, #tpu.memory_space<hbm>>
      %dma_wait3A_78 = tpu.memref_squeeze %dma_wait3A_77 : memref<1x10240xf32, #tpu.memory_space<hbm>> -> memref<10240xf32, #tpu.memory_space<hbm>>
      tpu.wait_dma2 semaphore(%run_scoped3A : memref<!tpu.dma_semaphore, #tpu.memory_space<semaphore_mem>>) src(%arg10 : memref<10240xf32, #tpu.memory_space<vmem>>) dst(%dma_wait3A_78 : memref<10240xf32, #tpu.memory_space<hbm>>)
      tpu.yield
    }) : () -> ()
    "tpu.region"() ({
      %run_scoped3A = tpu.sem_alloc : memref<!tpu.dma_semaphore, #tpu.memory_space<semaphore_mem>>
      %dma_start3A_67 = arith.constant 0 : i32
      %dma_start3A_68 = tpu.memref_slice %arg5[%add3A_66, %dma_start3A_67] : memref<128x10240xf32, #tpu.memory_space<hbm>> -> memref<1x10240xf32, #tpu.memory_space<hbm>>
      %dma_start3A_69 = tpu.memref_squeeze %dma_start3A_68 : memref<1x10240xf32, #tpu.memory_space<hbm>> -> memref<10240xf32, #tpu.memory_space<hbm>>
      %dma_start3A_70 = arith.constant 0 : i32
      %dma_start3A_71 = tpu.memref_slice %arg5[%add3A_66, %dma_start3A_70] : memref<128x10240xf32, #tpu.memory_space<hbm>> -> memref<1x10240xf32, #tpu.memory_space<hbm>>
      %dma_start3A_72 = tpu.memref_squeeze %dma_start3A_71 : memref<1x10240xf32, #tpu.memory_space<hbm>> -> memref<10240xf32, #tpu.memory_space<hbm>>
      tpu.enqueue_dma source(%arg11 : memref<10240xf32, #tpu.memory_space<vmem>>) target(%dma_start3A_72 : memref<10240xf32, #tpu.memory_space<hbm>>) target_semaphore(%run_scoped3A : memref<!tpu.dma_semaphore, #tpu.memory_space<semaphore_mem>>)
      %dma_wait3A_73 = arith.constant 0 : i32
      %dma_wait3A_74 = tpu.memref_slice %arg5[%add3A_66, %dma_wait3A_73] : memref<128x10240xf32, #tpu.memory_space<hbm>> -> memref<1x10240xf32, #tpu.memory_space<hbm>>
      %dma_wait3A_75 = tpu.memref_squeeze %dma_wait3A_74 : memref<1x10240xf32, #tpu.memory_space<hbm>> -> memref<10240xf32, #tpu.memory_space<hbm>>
      %dma_wait3A_76 = arith.constant 0 : i32
      %dma_wait3A_77 = tpu.memref_slice %arg5[%add3A_66, %dma_wait3A_76] : memref<128x10240xf32, #tpu.memory_space<hbm>> -> memref<1x10240xf32, #tpu.memory_space<hbm>>
      %dma_wait3A_78 = tpu.memref_squeeze %dma_wait3A_77 : memref<1x10240xf32, #tpu.memory_space<hbm>> -> memref<10240xf32, #tpu.memory_space<hbm>>
      tpu.wait_dma2 semaphore(%run_scoped3A : memref<!tpu.dma_semaphore, #tpu.memory_space<semaphore_mem>>) src(%arg11 : memref<10240xf32, #tpu.memory_space<vmem>>) dst(%dma_wait3A_78 : memref<10240xf32, #tpu.memory_space<hbm>>)
      tpu.yield
    }) : () -> ()
    return
  }
}

module attributes {stable_mosaic.version = 14 : i64} {
  func.func @_k2_body(%arg0: i32, %arg1: memref<5120x128xf32, #tpu.memory_space<vmem>>, %arg2: memref<128x5120xf32, #tpu.memory_space<vmem>>, %arg3: memref<32x5120xf32, #tpu.memory_space<vmem>>, %arg4: memref<128x128xf32, #tpu.memory_space<vmem>>, %arg5: memref<128x1xf32, #tpu.memory_space<vmem>>, %arg6: memref<128x1xf32, #tpu.memory_space<vmem>>, %arg7: memref<128x128xf32, #tpu.memory_space<vmem>>, %arg8: memref<128x5120xf32, #tpu.memory_space<vmem>>, %arg9: memref<64x5120xi32, #tpu.memory_space<vmem>>, %arg10: memref<1x5120xf32, #tpu.memory_space<vmem>>) attributes {dimension_semantics = [#tpu.dimension_semantics<arbitrary>], iteration_bounds = array<i64: 2>, scalar_prefetch = 0 : i64, scratch_operands = 0 : i64, tpu.core_type = #tpu.core_type<tc>, window_params = [{transform_indices = @transform_0, window_bounds = array<i64: 5120, 128>}, {transform_indices = @transform_1, window_bounds = array<i64: 128, 5120>}, {transform_indices = @transform_2, window_bounds = array<i64: 32, 5120>}, {pipeline_mode = #tpu.pipeline_mode<synchronous>, transform_indices = @transform_3, window_bounds = array<i64: 128, 128>}, {pipeline_mode = #tpu.pipeline_mode<synchronous>, transform_indices = @transform_4, window_bounds = array<i64: 128, 1>}, {pipeline_mode = #tpu.pipeline_mode<synchronous>, transform_indices = @transform_5, window_bounds = array<i64: 128, 1>}, {pipeline_mode = #tpu.pipeline_mode<synchronous>, transform_indices = @transform_6, window_bounds = array<i64: 128, 128>}, {transform_indices = @transform_7, window_bounds = array<i64: 128, 5120>}, {transform_indices = @transform_8, window_bounds = array<i64: 64, 5120>}, {transform_indices = @transform_9, window_bounds = array<i64: 1, 5120>}]} {
    %get3A = arith.constant 0 : index
    %get3A_0 = arith.constant 0 : index
    %get3A_1 = vector.load %arg4[%get3A, %get3A_0] : memref<128x128xf32, #tpu.memory_space<vmem>>, vector<128x128xf32>
    %get3A_2 = arith.constant 0 : index
    %get3A_3 = arith.constant 0 : index
    %get3A_4 = vector.load %arg1[%get3A_2, %get3A_3] : memref<5120x128xf32, #tpu.memory_space<vmem>>, vector<5120x128xf32>
    %dot_general3A = arith.constant dense<0.000000e+00> : vector<128x5120xf32>
    %dot_general3A_5 = tpu.matmul %get3A_1, %get3A_4, %dot_general3A {dimension_numbers = #tpu.dot_dimension_numbers<[1], [1], [0], [0], [0, 0, 1, 0], [], []>, transpose_lhs_hint = false} : vector<128x128xf32>, vector<5120x128xf32>, vector<128x5120xf32> -> vector<128x5120xf32>
    %get3A_6 = arith.constant 0 : index
    %get3A_7 = arith.constant 0 : index
    %get3A_8 = vector.load %arg3[%get3A_6, %get3A_7] : memref<32x5120xf32, #tpu.memory_space<vmem>>, vector<32x5120xf32>
    %reduce_sum3A = arith.constant dense<0.000000e+00> : vector<5120xf32>
    %reduce_sum3A_9 = vector.multi_reduction <add>, %get3A_8, %reduce_sum3A [0] : vector<32x5120xf32> to vector<5120xf32>
    %broadcast_in_dim3A = vector.shape_cast %reduce_sum3A_9 : vector<5120xf32> to vector<1x5120xf32>
    %max3A = arith.constant 1.000000e+00 : f32
    %max3A_10 = vector.broadcast %max3A : f32 to vector<1x5120xf32>
    %max3A_11 = arith.maximumf %broadcast_in_dim3A, %max3A_10 : vector<1x5120xf32>
    %div3A = arith.constant 1.000000e+00 : f32
    %div3A_12 = vector.broadcast %div3A : f32 to vector<1x5120xf32>
    %div3A_13 = arith.divf %div3A_12, %max3A_11 : vector<1x5120xf32>
    %swap3A = arith.constant 0 : index
    %swap3A_14 = arith.constant 0 : index
    %swap3A_15 = vector.load %arg10[%swap3A, %swap3A_14] : memref<1x5120xf32, #tpu.memory_space<vmem>>, vector<1x5120xf32>
    tpu.vector_store %arg10[%swap3A, %swap3A_14], %div3A_13 {strides = array<i32>} : memref<1x5120xf32, #tpu.memory_space<vmem>>, vector<1x5120xf32>,
    %get3A_16 = arith.constant 0 : index
    %get3A_17 = arith.constant 0 : index
    %get3A_18 = vector.load %arg2[%get3A_16, %get3A_17] : memref<128x5120xf32, #tpu.memory_space<vmem>>, vector<128x5120xf32>
    %mul3A = vector.broadcast %div3A_13 : vector<1x5120xf32> to vector<128x5120xf32>
    %mul3A_19 = arith.mulf %get3A_18, %mul3A : vector<128x5120xf32>
    %add3A = arith.addf %dot_general3A_5, %mul3A_19 : vector<128x5120xf32>
    %get3A_20 = arith.constant 0 : index
    %get3A_21 = arith.constant 0 : index
    %get3A_22 = vector.load %arg5[%get3A_20, %get3A_21] : memref<128x1xf32, #tpu.memory_space<vmem>>, vector<128x1xf32>
    %add3A_23 = vector.broadcast %get3A_22 : vector<128x1xf32> to vector<128x5120xf32>
    %add3A_24 = arith.addf %add3A, %add3A_23 : vector<128x5120xf32>
    %get3A_25 = arith.constant 0 : index
    %get3A_26 = arith.constant 0 : index
    %get3A_27 = vector.load %arg6[%get3A_25, %get3A_26] : memref<128x1xf32, #tpu.memory_space<vmem>>, vector<128x1xf32>
    %add3A_28 = vector.broadcast %get3A_27 : vector<128x1xf32> to vector<128x5120xf32>
    %add3A_29 = arith.addf %add3A_24, %add3A_28 : vector<128x5120xf32>
    %max3A_30 = arith.constant 0.000000e+00 : f32
    %max3A_31 = vector.broadcast %max3A_30 : f32 to vector<128x5120xf32>
    %max3A_32 = arith.maximumf %add3A_29, %max3A_31 : vector<128x5120xf32>
    %swap3A_33 = arith.constant 0 : index
    %swap3A_34 = arith.constant 0 : index
    %swap3A_35 = vector.load %arg8[%swap3A_33, %swap3A_34] : memref<128x5120xf32, #tpu.memory_space<vmem>>, vector<128x5120xf32>
    tpu.vector_store %arg8[%swap3A_33, %swap3A_34], %max3A_32 {strides = array<i32>} : memref<128x5120xf32, #tpu.memory_space<vmem>>, vector<128x5120xf32>,
    %get3A_36 = arith.constant 0 : index
    %get3A_37 = arith.constant 0 : index
    %get3A_38 = vector.load %arg7[%get3A_36, %get3A_37] : memref<128x128xf32, #tpu.memory_space<vmem>>, vector<128x128xf32>
    %dot_general3A_39 = arith.constant dense<0.000000e+00> : vector<128x5120xf32>
    %dot_general3A_40 = tpu.matmul %get3A_38, %max3A_32, %dot_general3A_39 {dimension_numbers = #tpu.dot_dimension_numbers<[1], [0], [0], [1], [0, 0, 1, 1], [], []>, transpose_lhs_hint = false} : vector<128x128xf32>, vector<128x5120xf32>, vector<128x5120xf32> -> vector<128x5120xf32>
    %slice3A = vector.extract_strided_slice %dot_general3A_40 {offsets = [0, 0], sizes = [64, 5120], strides = [1, 1]} : vector<128x5120xf32> to vector<64x5120xf32>
    %convert_element_type3A = arith.truncf %slice3A : vector<64x5120xf32> to vector<64x5120xbf16>
    %slice3A_41 = vector.extract_strided_slice %dot_general3A_40 {offsets = [64, 0], sizes = [64, 5120], strides = [1, 1]} : vector<128x5120xf32> to vector<64x5120xf32>
    %convert_element_type3A_42 = arith.truncf %slice3A_41 : vector<64x5120xf32> to vector<64x5120xbf16>
    %bitcast_convert_type3A = tpu.bitcast %convert_element_type3A : vector<64x5120xbf16> -> vector<64x5120xi16>
    %convert_element_type3A_43 = arith.extui %bitcast_convert_type3A : vector<64x5120xi16> to vector<64x5120xi32>
    %bitcast_convert_type3A_44 = tpu.bitcast %convert_element_type3A_42 : vector<64x5120xbf16> -> vector<64x5120xi16>
    %convert_element_type3A_45 = arith.extui %bitcast_convert_type3A_44 : vector<64x5120xi16> to vector<64x5120xi32>
    %shift_left3A = arith.constant 16 : i32
    %shift_left3A_46 = vector.broadcast %shift_left3A : i32 to vector<64x5120xi32>
    %shift_left3A_47 = arith.shli %convert_element_type3A_45, %shift_left3A_46 : vector<64x5120xi32>
    %or3A = arith.ori %convert_element_type3A_43, %shift_left3A_47 : vector<64x5120xi32>
    %bitcast_convert_type3A_48 = tpu.bitcast %or3A : vector<64x5120xi32> -> vector<64x5120xi32>
    %swap3A_49 = arith.constant 0 : index
    %swap3A_50 = arith.constant 0 : index
    %swap3A_51 = vector.load %arg9[%swap3A_49, %swap3A_50] : memref<64x5120xi32, #tpu.memory_space<vmem>>, vector<64x5120xi32>
    tpu.vector_store %arg9[%swap3A_49, %swap3A_50], %bitcast_convert_type3A_48 {strides = array<i32>} : memref<64x5120xi32, #tpu.memory_space<vmem>>, vector<64x5120xi32>,
    return
  }
  func.func @transform_0(%arg0: i32) -> (i32, i32) {
    %c0_i32 = arith.constant 0 : i32
    %c0_i32_0 = arith.constant 0 : i32
    return %arg0, %c0_i32 : i32, i32
  }
  func.func @transform_1(%arg0: i32) -> (i32, i32) {
    %c0_i32 = arith.constant 0 : i32
    %c0_i32_0 = arith.constant 0 : i32
    return %c0_i32, %arg0 : i32, i32
  }
  func.func @transform_2(%arg0: i32) -> (i32, i32) {
    %c0_i32 = arith.constant 0 : i32
    %c0_i32_0 = arith.constant 0 : i32
    return %c0_i32, %arg0 : i32, i32
  }
  func.func @transform_3(%arg0: i32) -> (i32, i32) {
    %c0_i32 = arith.constant 0 : i32
    %c0_i32_0 = arith.constant 0 : i32
    %c0_i32_1 = arith.constant 0 : i32
    return %c0_i32, %c0_i32_0 : i32, i32
  }
  func.func @transform_4(%arg0: i32) -> (i32, i32) {
    %c0_i32 = arith.constant 0 : i32
    %c0_i32_0 = arith.constant 0 : i32
    %c0_i32_1 = arith.constant 0 : i32
    return %c0_i32, %c0_i32_0 : i32, i32
  }
  func.func @transform_5(%arg0: i32) -> (i32, i32) {
    %c0_i32 = arith.constant 0 : i32
    %c0_i32_0 = arith.constant 0 : i32
    %c0_i32_1 = arith.constant 0 : i32
    return %c0_i32, %c0_i32_0 : i32, i32
  }
  func.func @transform_6(%arg0: i32) -> (i32, i32) {
    %c0_i32 = arith.constant 0 : i32
    %c0_i32_0 = arith.constant 0 : i32
    %c0_i32_1 = arith.constant 0 : i32
    return %c0_i32, %c0_i32_0 : i32, i32
  }
  func.func @transform_7(%arg0: i32) -> (i32, i32) {
    %c0_i32 = arith.constant 0 : i32
    %c0_i32_0 = arith.constant 0 : i32
    return %c0_i32, %arg0 : i32, i32
  }
  func.func @transform_8(%arg0: i32) -> (i32, i32) {
    %c0_i32 = arith.constant 0 : i32
    %c0_i32_0 = arith.constant 0 : i32
    return %c0_i32, %arg0 : i32, i32
  }
  func.func @transform_9(%arg0: i32) -> (i32, i32) {
    %c0_i32 = arith.constant 0 : i32
    %c0_i32_0 = arith.constant 0 : i32
    return %c0_i32, %arg0 : i32, i32
  }
}

module attributes {stable_mosaic.version = 14 : i64} {
  func.func @_k1_body(%arg0: i32, %arg1: memref<5120x128xf32, #tpu.memory_space<vmem>>, %arg2: memref<128x128xf32, #tpu.memory_space<vmem>>, %arg3: memref<2x160000xi32, #tpu.memory_space<vmem>>, %arg4: memref<64x5120xi32, #tpu.memory_space<vmem>>, %arg5: memref<1x160000xi32, #tpu.memory_space<vmem>>) attributes {dimension_semantics = [#tpu.dimension_semantics<arbitrary>], iteration_bounds = array<i64: 2>, scalar_prefetch = 0 : i64, scratch_operands = 0 : i64, tpu.core_type = #tpu.core_type<tc>, window_params = [{transform_indices = @transform_0, window_bounds = array<i64: 5120, 128>}, {pipeline_mode = #tpu.pipeline_mode<synchronous>, transform_indices = @transform_1, window_bounds = array<i64: 128, 128>}, {transform_indices = @transform_2, window_bounds = array<i64: 2, 160000>}, {transform_indices = @transform_3, window_bounds = array<i64: 64, 5120>}, {transform_indices = @transform_4, window_bounds = array<i64: 1, 160000>}]} {
    %get3A = arith.constant 0 : index
    %get3A_0 = arith.constant 0 : index
    %get3A_1 = vector.load %arg2[%get3A, %get3A_0] : memref<128x128xf32, #tpu.memory_space<vmem>>, vector<128x128xf32>
    %get3A_2 = arith.constant 0 : index
    %get3A_3 = arith.constant 0 : index
    %get3A_4 = vector.load %arg1[%get3A_2, %get3A_3] : memref<5120x128xf32, #tpu.memory_space<vmem>>, vector<5120x128xf32>
    %dot_general3A = arith.constant dense<0.000000e+00> : vector<128x5120xf32>
    %dot_general3A_5 = tpu.matmul %get3A_1, %get3A_4, %dot_general3A {dimension_numbers = #tpu.dot_dimension_numbers<[1], [1], [0], [0], [0, 0, 1, 0], [], []>, transpose_lhs_hint = false} : vector<128x128xf32>, vector<5120x128xf32>, vector<128x5120xf32> -> vector<128x5120xf32>
    %slice3A = vector.extract_strided_slice %dot_general3A_5 {offsets = [0, 0], sizes = [64, 5120], strides = [1, 1]} : vector<128x5120xf32> to vector<64x5120xf32>
    %convert_element_type3A = arith.truncf %slice3A : vector<64x5120xf32> to vector<64x5120xbf16>
    %slice3A_6 = vector.extract_strided_slice %dot_general3A_5 {offsets = [64, 0], sizes = [64, 5120], strides = [1, 1]} : vector<128x5120xf32> to vector<64x5120xf32>
    %convert_element_type3A_7 = arith.truncf %slice3A_6 : vector<64x5120xf32> to vector<64x5120xbf16>
    %bitcast_convert_type3A = tpu.bitcast %convert_element_type3A : vector<64x5120xbf16> -> vector<64x5120xi16>
    %convert_element_type3A_8 = arith.extui %bitcast_convert_type3A : vector<64x5120xi16> to vector<64x5120xi32>
    %bitcast_convert_type3A_9 = tpu.bitcast %convert_element_type3A_7 : vector<64x5120xbf16> -> vector<64x5120xi16>
    %convert_element_type3A_10 = arith.extui %bitcast_convert_type3A_9 : vector<64x5120xi16> to vector<64x5120xi32>
    %shift_left3A = arith.constant 16 : i32
    %shift_left3A_11 = vector.broadcast %shift_left3A : i32 to vector<64x5120xi32>
    %shift_left3A_12 = arith.shli %convert_element_type3A_10, %shift_left3A_11 : vector<64x5120xi32>
    %or3A = arith.ori %convert_element_type3A_8, %shift_left3A_12 : vector<64x5120xi32>
    %bitcast_convert_type3A_13 = tpu.bitcast %or3A : vector<64x5120xi32> -> vector<64x5120xi32>
    %swap3A = arith.constant 0 : index
    %swap3A_14 = arith.constant 0 : index
    %swap3A_15 = vector.load %arg4[%swap3A, %swap3A_14] : memref<64x5120xi32, #tpu.memory_space<vmem>>, vector<64x5120xi32>
    tpu.vector_store %arg4[%swap3A, %swap3A_14], %bitcast_convert_type3A_13 {strides = array<i32>} : memref<64x5120xi32, #tpu.memory_space<vmem>>, vector<64x5120xi32>,
    %get3A_16 = arith.constant 0 : index
    %get3A_17 = arith.constant 0 : index
    %get3A_18 = vector.load %arg3[%get3A_16, %get3A_17] : memref<2x160000xi32, #tpu.memory_space<vmem>>, vector<1x160000xi32>
    %shift_left3A_19 = arith.constant 14 : i32
    %shift_left3A_20 = vector.broadcast %shift_left3A_19 : i32 to vector<1x160000xi32>
    %shift_left3A_21 = arith.shli %get3A_18, %shift_left3A_20 : vector<1x160000xi32>
    %get3A_22 = arith.constant 1 : index
    %get3A_23 = arith.constant 0 : index
    %get3A_24 = vector.load %arg3[%get3A_22, %get3A_23] : memref<2x160000xi32, #tpu.memory_space<vmem>>, vector<1x160000xi32>
    %or3A_25 = arith.ori %shift_left3A_21, %get3A_24 : vector<1x160000xi32>
    %swap3A_26 = arith.constant 0 : index
    %swap3A_27 = arith.constant 0 : index
    %swap3A_28 = vector.load %arg5[%swap3A_26, %swap3A_27] : memref<1x160000xi32, #tpu.memory_space<vmem>>, vector<1x160000xi32>
    tpu.vector_store %arg5[%swap3A_26, %swap3A_27], %or3A_25 {strides = array<i32>} : memref<1x160000xi32, #tpu.memory_space<vmem>>, vector<1x160000xi32>,
    return
  }
  func.func @transform_0(%arg0: i32) -> (i32, i32) {
    %c0_i32 = arith.constant 0 : i32
    %c0_i32_0 = arith.constant 0 : i32
    return %arg0, %c0_i32 : i32, i32
  }
  func.func @transform_1(%arg0: i32) -> (i32, i32) {
    %c0_i32 = arith.constant 0 : i32
    %c0_i32_0 = arith.constant 0 : i32
    %c0_i32_1 = arith.constant 0 : i32
    return %c0_i32, %c0_i32_0 : i32, i32
  }
  func.func @transform_2(%arg0: i32) -> (i32, i32) {
    %c0_i32 = arith.constant 0 : i32
    %c0_i32_0 = arith.constant 0 : i32
    return %c0_i32, %arg0 : i32, i32
  }
  func.func @transform_3(%arg0: i32) -> (i32, i32) {
    %c0_i32 = arith.constant 0 : i32
    %c0_i32_0 = arith.constant 0 : i32
    return %c0_i32, %arg0 : i32, i32
  }
  func.func @transform_4(%arg0: i32) -> (i32, i32) {
    %c0_i32 = arith.constant 0 : i32
    %c0_i32_0 = arith.constant 0 : i32
    return %c0_i32, %arg0 : i32, i32
  }
}

module attributes {stable_mosaic.version = 14 : i64} {
  func.func @_k3_body(%arg0: i32, %arg1: memref<128x5120xf32, #tpu.memory_space<vmem>>, %arg2: memref<128x5120xf32, #tpu.memory_space<vmem>>, %arg3: memref<1x5120xf32, #tpu.memory_space<vmem>>, %arg4: memref<128x128xf32, #tpu.memory_space<vmem>>, %arg5: memref<1x128xf32, #tpu.memory_space<vmem>>, %arg6: memref<1x128xf32, #tpu.memory_space<vmem>>, %arg7: memref<5120x128xf32, #tpu.memory_space<vmem>>) attributes {dimension_semantics = [#tpu.dimension_semantics<arbitrary>], iteration_bounds = array<i64: 2>, scalar_prefetch = 0 : i64, scratch_operands = 0 : i64, tpu.core_type = #tpu.core_type<tc>, window_params = [{transform_indices = @transform_0, window_bounds = array<i64: 128, 5120>}, {transform_indices = @transform_1, window_bounds = array<i64: 128, 5120>}, {transform_indices = @transform_2, window_bounds = array<i64: 1, 5120>}, {pipeline_mode = #tpu.pipeline_mode<synchronous>, transform_indices = @transform_3, window_bounds = array<i64: 128, 128>}, {pipeline_mode = #tpu.pipeline_mode<synchronous>, transform_indices = @transform_4, window_bounds = array<i64: 1, 128>}, {pipeline_mode = #tpu.pipeline_mode<synchronous>, transform_indices = @transform_5, window_bounds = array<i64: 1, 128>}, {transform_indices = @transform_6, window_bounds = array<i64: 5120, 128>}]} {
    %get3A = arith.constant 0 : index
    %get3A_0 = arith.constant 0 : index
    %get3A_1 = vector.load %arg1[%get3A, %get3A_0] : memref<128x5120xf32, #tpu.memory_space<vmem>>, vector<128x5120xf32>
    %get3A_2 = arith.constant 0 : index
    %get3A_3 = arith.constant 0 : index
    %get3A_4 = vector.load %arg4[%get3A_2, %get3A_3] : memref<128x128xf32, #tpu.memory_space<vmem>>, vector<128x128xf32>
    %dot_general3A = arith.constant dense<0.000000e+00> : vector<5120x128xf32>
    %dot_general3A_5 = tpu.matmul %get3A_1, %get3A_4, %dot_general3A {dimension_numbers = #tpu.dot_dimension_numbers<[0], [1], [1], [0], [0, 1, 1, 0], [], []>, transpose_lhs_hint = false} : vector<128x5120xf32>, vector<128x128xf32>, vector<5120x128xf32> -> vector<5120x128xf32>
    %get3A_6 = arith.constant 0 : index
    %get3A_7 = arith.constant 0 : index
    %get3A_8 = vector.load %arg2[%get3A_6, %get3A_7] : memref<128x5120xf32, #tpu.memory_space<vmem>>, vector<128x5120xf32>
    %get3A_9 = arith.constant 0 : index
    %get3A_10 = arith.constant 0 : index
    %get3A_11 = vector.load %arg3[%get3A_9, %get3A_10] : memref<1x5120xf32, #tpu.memory_space<vmem>>, vector<1x5120xf32>
    %mul3A = vector.broadcast %get3A_11 : vector<1x5120xf32> to vector<128x5120xf32>
    %mul3A_12 = arith.mulf %get3A_8, %mul3A : vector<128x5120xf32>
    %transpose3A = tpu.transpose %mul3A_12, [1, 0] : vector<128x5120xf32> -> vector<5120x128xf32>
    %add3A = arith.addf %dot_general3A_5, %transpose3A : vector<5120x128xf32>
    %get3A_13 = arith.constant 0 : index
    %get3A_14 = arith.constant 0 : index
    %get3A_15 = vector.load %arg5[%get3A_13, %get3A_14] : memref<1x128xf32, #tpu.memory_space<vmem>>, vector<1x128xf32>
    %add3A_16 = vector.broadcast %get3A_15 : vector<1x128xf32> to vector<5120x128xf32>
    %add3A_17 = arith.addf %add3A, %add3A_16 : vector<5120x128xf32>
    %get3A_18 = arith.constant 0 : index
    %get3A_19 = arith.constant 0 : index
    %get3A_20 = vector.load %arg6[%get3A_18, %get3A_19] : memref<1x128xf32, #tpu.memory_space<vmem>>, vector<1x128xf32>
    %add3A_21 = vector.broadcast %get3A_20 : vector<1x128xf32> to vector<5120x128xf32>
    %add3A_22 = arith.addf %add3A_17, %add3A_21 : vector<5120x128xf32>
    %swap3A = arith.constant 0 : index
    %swap3A_23 = arith.constant 0 : index
    %swap3A_24 = vector.load %arg7[%swap3A, %swap3A_23] : memref<5120x128xf32, #tpu.memory_space<vmem>>, vector<5120x128xf32>
    tpu.vector_store %arg7[%swap3A, %swap3A_23], %add3A_22 {strides = array<i32>} : memref<5120x128xf32, #tpu.memory_space<vmem>>, vector<5120x128xf32>,
    return
  }
  func.func @transform_0(%arg0: i32) -> (i32, i32) {
    %c0_i32 = arith.constant 0 : i32
    %c0_i32_0 = arith.constant 0 : i32
    return %c0_i32, %arg0 : i32, i32
  }
  func.func @transform_1(%arg0: i32) -> (i32, i32) {
    %c0_i32 = arith.constant 0 : i32
    %c0_i32_0 = arith.constant 0 : i32
    return %c0_i32, %arg0 : i32, i32
  }
  func.func @transform_2(%arg0: i32) -> (i32, i32) {
    %c0_i32 = arith.constant 0 : i32
    %c0_i32_0 = arith.constant 0 : i32
    return %c0_i32, %arg0 : i32, i32
  }
  func.func @transform_3(%arg0: i32) -> (i32, i32) {
    %c0_i32 = arith.constant 0 : i32
    %c0_i32_0 = arith.constant 0 : i32
    %c0_i32_1 = arith.constant 0 : i32
    return %c0_i32, %c0_i32_0 : i32, i32
  }
  func.func @transform_4(%arg0: i32) -> (i32, i32) {
    %c0_i32 = arith.constant 0 : i32
    %c0_i32_0 = arith.constant 0 : i32
    %c0_i32_1 = arith.constant 0 : i32
    return %c0_i32, %c0_i32_0 : i32, i32
  }
  func.func @transform_5(%arg0: i32) -> (i32, i32) {
    %c0_i32 = arith.constant 0 : i32
    %c0_i32_0 = arith.constant 0 : i32
    %c0_i32_1 = arith.constant 0 : i32
    return %c0_i32, %c0_i32_0 : i32, i32
  }
  func.func @transform_6(%arg0: i32) -> (i32, i32) {
    %c0_i32 = arith.constant 0 : i32
    %c0_i32_0 = arith.constant 0 : i32
    return %arg0, %c0_i32 : i32, i32
  }
}

</mosaic_0001>

<sc_bundles>
// kernel: kernel.10.cloned.1.call-start
scs
__scs_entry_jumppad:
0x0: {  	(pc) =	sbr.rel $0x88, $3  }
0x1: {  	(tag) =	ssettag $0x0;
	lr =	simm.s32 $0x1  }
0x2: {  	[smem:$0x3F94] =	sst lr;
	_ =	strace $0xD0000000  }
0x3: {  	_ = 	snop  }
0x4: {  	_ = 	snop  }
0x5: {  	_ = 	snop  }
0x6: {  	_ = 	snop  }
0x7: {  	_ = 	snop  }
__scs_overlays_trampoline_lowered:
0x8: {  	[smem:$0x3FA3] =	sst s0  }
0x9: {  	[smem:$0x3FA4] =	sst s1  }
0xa: {  	[smem:$0x3FA5] =	sst s2  }
0xb: {  	[smem:$0x3FA6] =	sst s3  }
0xc: {  	[smem:$0x3FA7] =	sst s4  }
0xd: {  	[smem:$0x3FA8] =	sst s5  }
0xe: {  	[smem:$0x3FA9] =	sst s6  }
0xf: {  	[smem:$0x3FAA] =	sst s7  }
0x10: {  	[smem:$0x3FAB] =	sst s8  }
0x11: {  	[smem:$0x3FAC] =	sst s9;
	s0 =	simm.s32 @!p0 $0x0  }
0x12: {  	s1 =	sld [smem:$0x3F92];
	s0 =	simm.s32 @p0 $0x1  }
0x13: {  	[smem:$0x3FAD] =	sst s0;
	s0 =	simm.s32 @!p1 $0x0  }
0x14: {  	s2 =	sld [smem:$0x3F91];
	s0 =	simm.s32 @p1 $0x1  }
0x15: {  	[smem:$0x3FAE] =	sst s0;
	s0 =	simm.s32 @!p2 $0x0  }
0x16: {  	s3 =	sld [smem:$0x3FDB];
	s0 =	simm.s32 @p2 $0x1  }
0x17: {  	s4 =	simm.s32 $0x1BF5;
	[smem:$0x3FB0] =	sst s0  }
0x18: {  	s0 =	sld [smem:$0x3F93];
	_ =	swait.ge [sflag:s4], $0x0  }
0x19: {  	s7 =	sld [smem:$0x3F94]  }
0x1a: {  	s8 =	sadd.s32 $0xFFFFE003, lr  }
0x1b: {  	s9 =	sadd.s32 $0xFFFFFEF7, lr;
	s5 =	simm.s32 $0xFFFFFFFF;
	p2 =	slt.u32 s8, $0xFFFFF086  }
0x1c: {  	p1 =	slt.u32 s9, $0xF7A;
	s5 =	simm.s32 @!p2 $0x0  }
0x1d: {  	s5 =	simm.s32 @p1 $0x1;
	p0 =	seq.s32 s7, s2  }
0x1e: {  	s7 =	smul.u32 @!p0 $0xF7A, s2;
	p2 =	seq.s32 @!p0 s5, $0x0  }
0x1f: {  	s9 =	smul.u32 $0xF7A, s1;
	s8 =	simm.s32 @!p0 $0x1BF5;
	p2 =	por !p2, p0  }
0x20: {  	[sflag:s8] =	ssyncset.s32 @!p0 $0xFFFFF086;
	s6 =	sadd.s32 @!p0 s3, s7;
	s7 =	simm.s32 @!p0 $0x108  }
0x21: {  	s3 =	sadd.s32 s3, s9;
	s6 =	sadd.s32 @!p0 $0x88, s6;
	s7 =	simm.s32 @p2 $0x1082  }
0x22: {  	[simem:s7], [sflag:s8] =	dma.local @!p0 [hbm:s6], $0xF7A  }
0x23: {  	s9 =	sor.u32 $0xD0000000, s2;
	s6 =	simm.s32 $0x108;
	_ =	swait.ge @!p0 [sflag:s8], $0x0  }
0x24: {  	s3 =	sadd.s32 $0x88, s3;
	s6 =	simm.s32 @!p1 $0x1082;
	[sflag:s4] =	ssyncset.s32 $0xFFFFF086  }
0x25: {  	[simem:s6], [sflag:s4] =	dma.local [hbm:s3], $0xF7A  }
0x26: {  	[smem:$0x3F94] =	sst s1;
	(tag) =	ssettag s2;
	_ =	strace s9  }
0x27: {  	s1 =	sld [smem:$0x3FA4]  }
0x28: {  	s2 =	sld [smem:$0x3FA5]  }
0x29: {  	s4 =	sld [smem:$0x3FA7]  }
0x2a: {  	p0 =	seq.s32 s5, $0x0;
	s5 =	sld [smem:$0x3FA8]  }
0x2b: {  	s6 =	sld [smem:$0x3FA9]  }
0x2c: {  	s7 =	sld [smem:$0x3FAA]  }
0x2d: {  	s3 =	simm.s32 $0x108;
	s8 =	sld [smem:$0x3FAB]  }
0x2e: {  	s3 =	simm.s32 @!p0 $0x1082;
	s9 =	sld [smem:$0x3FAC]  }
0x2f: {  	lr =	sadd.s32 s0, s3;
	s0 =	sld [smem:$0x3FA3]  }
0x30: {  	s3 =	sld [smem:$0x3FA6]  }
0x31: {  	[smem:$0x3FAF] =	sst s10  }
0x32: {  	s10 =	sld [smem:$0x3FAD];
	_ =	sdelay $0x3  }
0x33: {  	p0 =	seq.s32 s10, $0x1;
	s10 =	sld [smem:$0x3FAF];
	_ =	sdelay $0x3  }
0x34: {  	[smem:$0x3FAF] =	sst s10  }
0x35: {  	s10 =	sld [smem:$0x3FAE];
	_ =	sdelay $0x3  }
0x36: {  	p1 =	seq.s32 s10, $0x1;
	s10 =	sld [smem:$0x3FAF];
	_ =	sdelay $0x3  }
0x37: {  	[smem:$0x3FAF] =	sst s10  }
0x38: {  	s10 =	sld [smem:$0x3FB0]  }
0x39: {  	_ = 	snop;
	(pc) =	sbr.ind lr, $3  }
0x3a: {  	_ = 	snop  }
0x3b: {  	_ = 	snop  }
0x3c: {  	p2 =	seq.s32 s10, $0x1;
	s10 =	sld [smem:$0x3FAF]  }
0x3d: {  	_ =	shalt  }
0x3e: {  	_ =	shalt  }
0x3f: {  	_ =	shalt  }
0x40: {  	_ =	shalt  }
0x41: {  	_ =	shalt  }
0x42: {  	_ =	shalt  }
0x43: {  	_ =	shalt  }
0x44: {  	_ =	shalt  }
0x45: {  	_ =	shalt  }
0x46: {  	_ =	shalt  }
0x47: {  	_ =	shalt  }
0x48: {  	_ =	shalt  }
0x49: {  	_ =	shalt  }
0x4a: {  	_ =	shalt  }
0x4b: {  	_ =	shalt  }
0x4c: {  	_ =	shalt  }
0x4d: {  	_ =	shalt  }
0x4e: {  	_ =	shalt  }
0x4f: {  	_ =	shalt  }
0x50: {  	_ =	shalt  }
0x51: {  	_ =	shalt  }
0x52: {  	_ =	shalt  }
0x53: {  	_ =	shalt  }
0x54: {  	_ =	shalt  }
0x55: {  	_ =	shalt  }
0x56: {  	_ =	shalt  }
0x57: {  	_ =	shalt  }
0x58: {  	_ =	shalt  }
0x59: {  	_ =	shalt  }
0x5a: {  	_ =	shalt  }
0x5b: {  	_ =	shalt  }
0x5c: {  	_ =	shalt  }
0x5d: {  	_ =	shalt  }
0x5e: {  	_ =	shalt  }
0x5f: {  	_ =	shalt  }
0x60: {  	_ =	shalt  }
0x61: {  	_ =	shalt  }
0x62: {  	_ =	shalt  }
0x63: {  	_ =	shalt  }
0x64: {  	_ =	shalt  }
0x65: {  	_ =	shalt  }
0x66: {  	_ =	shalt  }
0x67: {  	_ =	shalt  }
0x68: {  	_ =	shalt  }
0x69: {  	_ =	shalt  }
0x6a: {  	_ =	shalt  }
0x6b: {  	_ =	shalt  }
0x6c: {  	_ =	shalt  }
0x6d: {  	_ =	shalt  }
0x6e: {  	_ =	shalt  }
0x6f: {  	_ =	shalt  }
0x70: {  	_ =	shalt  }
0x71: {  	_ =	shalt  }
0x72: {  	_ =	shalt  }
0x73: {  	_ =	shalt  }
0x74: {  	_ =	shalt  }
0x75: {  	_ =	shalt  }
0x76: {  	_ =	shalt  }
0x77: {  	_ =	shalt  }
0x78: {  	_ =	shalt  }
0x79: {  	_ =	shalt  }
0x7a: {  	_ =	shalt  }
0x7b: {  	_ =	shalt  }
0x7c: {  	_ =	shalt  }
0x7d: {  	_ =	shalt  }
0x7e: {  	_ =	shalt  }
0x7f: {  	_ =	shalt  }
0x80: {  	_ =	shalt  }
0x81: {  	_ =	shalt  }
0x82: {  	_ =	shalt  }
0x83: {  	_ =	shalt  }
0x84: {  	_ =	shalt  }
0x85: {  	_ =	shalt  }
0x86: {  	_ =	shalt  }
0x87: {  	_ =	shalt  }
.Lfunc_end0:
.L_simem_size_0:
called_computation.1_lowered:
.L_overlay_start_0:
0x88: {  	s2 =	sld [smem:$0x3FD9]  }
0x89: {  	s3 =	sld [smem:$0x3FFE];
	_ =	sdelay $0x1  }
0x8a: {  	s1 =	srdreg.scid  }
0x8b: {  	s0 =	sand.u32 $0x1, s1  }
0x8c: {  	s17 =	sshll.u32 s0, $0xA;
	s2 =	sadd.s32 s3, s2  }
0x8d: {  	s2 =	sadd.s32 s2, s17  }
0x8e: {  	[smem:$0x3FBB] =	sst s2  }
0x8f: {  	_ = 	snop  }
0x90: {  	s2 =	sld [smem:$0x3FC7]  }
0x91: {  	s18 =	sld [smem:$0x3FD0];
	(tm) =	ssettm $0x1  }
0x92: {  	s4 =	sld [smem:$0x3FFB];
	_ =	sdelay $0x3  }
0x93: {  	_ =	strace s4  }
0x94: {  	s4 =	sld [smem:$0x3FFC];
	_ =	sdelay $0x3  }
0x95: {  	_ =	strace s4  }
0x96: {  	s4 =	sld [smem:$0x3FFD];
	_ =	sdelay $0x3  }
0x97: {  	_ =	strace s4  }
0x98: {  	_ =	strace $0x8FFFFFFF  }
0x99: {  	s19 =	sld [smem:$0x3FDB];
	_ =	sdelay $0x1  }
0x9a: {  	s5 =	simm.s32 $_scs_section_size  }
0x9b: {  	s6 =	simm.s32 $_size__tile_overlayer_lowered;
	s7 =	simm.s32 $_tile_overlayer_lowered  }
0x9c: {  	s22 =	simm.s32 $0x1BFF;
	s21 =	sshll.u32 s7, $0x1;
	s4 =	sadd.s32 s5, s19  }
0x9d: {  	s8 =	simm.s32 $0x0;
	s20 =	sshll.u32 s6, $0x1;
	s6 =	sadd.s32 s21, s4  }
0x9e: {  	[timem:s8], [sflag:s22] =	dma.local [hbm:s6], s20  }
0x9f: {  	_ =	swait.ge [sflag:s22], s20  }
0xa0: {  	s5 =	ssub.s32 $0x0, s20;
	[sflag:s22] =	ssyncset.done $0x0  }
0xa1: {  	[sflag:s22] =	ssyncadd.s32 s5;
	_ =	sdelay $0x1  }
0xa2: {  	s23 =	simm.s32 $0x1B8B  }
0xa3: {  	_ =	swait.ge [sflag:s23], $0x1  }
0xa4: {  	[sflag:s23] =	ssyncset.done $0x0  }
0xa5: {  	s25 =	simm.s32 $0x1B8E;
	s24 =	sld [smem:$0x3FFE];
	[sflag:s23] =	ssyncadd.s32 $0xFFFFFFFF  }
0xa6: {  	s26 =	simm.s32 $execute0_lowered;
	[smem:$0x3FD2] =	sst s25  }
0xa7: {  	s6 =	sshll.u32 s26, $0x1;
	_ =	strace $0x80000049;
	[dreg:$0x1] =	wrdreg $0xFFFFFFFF  }
0xa8: {  	s28 =	simm.s32 $_size_execute0_lowered;
	s4 =	sadd.s32 s4, s6;
	[dreg:$0x0] =	wrdreg $0x0  }
0xa9: {  	s6 =	sshll.u32 s28, $0x1;
	[dreg:$0x2] =	wrdreg s4  }
0xaa: {  	[dreg:$0x3] =	wrdreg s6  }
0xab: {  	[dreg:$0x4] =	wrdreg $0xC0  }
0xac: {  	_ =	task [dreg:s8], $0x5FFFF  }
0xad: {  	[dreg:$0x1] =	wrdreg $0xFFFFFFFF  }
0xae: {  	[dreg:$0x0] =	wrdreg $0x60  }
0xaf: {  	[dreg:$0x2] =	wrdreg s18  }
0xb0: {  	[dreg:$0x3] =	wrdreg s24  }
0xb1: {  	[dreg:$0x4] =	wrdreg s2  }
0xb2: {  	[dreg:$0x5] =	wrdreg $0x9  }
0xb3: {  	_ =	task.clear_ibuf [dreg:s8], $0x6FFFF;
	_ =	strace $0x90000049  }
0xb4: {  	s29 =	simm.s32 $0x9;
	_ =	strace $0x8000004B  }
0xb5: {  	_ =	swait.ge [sflag:s29], $0x1  }
0xb6: {  	[sflag:s29] =	ssyncadd.s32 $0xFFFFFFFF  }
0xb7: {  	_ =	strace $0x9000004B  }
0xb8: {  	_ =	sfence  }
0xb9: {  	s30 =	sld [smem:$0x0];
	_ =	sdelay $0x2  }
0xba: {  	s31 =	sshll.u32 s1, $0xD;
	s1 =	sshrl.u32 s1, $0x2  }
0xbb: {  	s3 =	sand.u32 $0x4000, s31;
	s1 =	sadd.s32 s1, s30  }
0xbc: {  	s0 =	sor.u32 s3, s0;
	s1 =	sshll.u32 s1, $0x11  }
0xbd: {  	s0 =	sor.u32 s1, s0  }
0xbe: {  	s0 =	sadd.s32 $0x8F2B, s0  }
0xbf: {  	[sflag:s0] =	ssyncadd.remote.s32 $0x1  }
0xc0: {  	_ =	sfence.sel $0xFFFF  }
0xc1: {  	[dreg:$0x0] =	wrdreg $0xFFFFFFFF;
	(pc) =	sbr.abs _section_cstart, $3  }
0xc2: {  	[dreg:$0x1] =	wrdreg $0xFFFFFFFF  }
0xc3: {  	_ =	task.clear_ibuf [dreg:s8], $0x2FFFF;
	_ =	strace $0x9FFFFFFF  }
0xc4: {  	(tm) =	ssettm $0x7FFFFFFF  }
0xc5: {  	_ =	shalt  }
tec
execute0_lowered:
.L_overlay_start_1:
0x0: {  	(tag) =	ssettag $0x1  }
0x1: {  	s0 =	rddreg [dreg:$0x0]  }
0x2: {  	s1 =	rddreg [dreg:$0x1]  }
0x3: {  	s3 =	srdreg.scid;
	s2 =	rddreg [dreg:$0x2]  }
0x4: {  	s7 =	stileid.u32;
	s13 =	simm.s32 $0x400;
	s14 =	simm.s32 $0x2800  }
0x5: {  	s15 =	simm.s32 $0x1;
	s17 =	simm.s32 $0x15700;
	s18 =	simm.s32 $0x2  }
0x6: {  	s19 =	simm.s32 $0x13780;
	s20 =	simm.s32 $0x17680;
	s21 =	simm.s32 $0x5000  }
0x7: {  	s22 =	simm.s32 $0x7800;
	s23 =	simm.s32 $0xA000;
	s24 =	simm.s32 $0xC800  }
0x8: {  	s28 =	simm.s32 $0x0;
	s5 =	sand.u32 $0x1, s3;
	s4 =	sshll.u32 s7, $0x2  }
0x9: {  	s3 =	simm.s32 $0x0;
	s25 =	sshrl.u32 s7, $0x1;
	s6 =	sshll.u32 s5, $0x1  }
0xa: {  	[smem:$0x7FF] =	sst s3;
	s7 =	smul.u32 $0x14000, s25;
	s5 =	ssub.s32 $0x2, s5  }
0xb: {  	s25 =	simm.s32 $0x3;
	s6 =	sor.u32 s6, s4;
	_ =	strace $0x8000004A  }
0xc: {  	s4 =	sadd.s32 $0x3000, s1;
	s1 =	sadd.s32 $0xCE00, s1;
	s26 =	sshrl.u32 s5, $0x1  }
0xd: {  	s8 =	sshll.u32 s6, $0x7;
	s6 =	sor.u32 $0x41, s6;
	s11 =	ssub.s32 s5, s26  }
0xe: {  	s26 =	simm.s32 $0x4;
	s8 =	sand.u32 $0x300, s8;
	s29 =	sshrl.u32 s6, $0x3  }
0xf: {  	s12 =	sshll.u32 s6, $0x7;
	s11 =	smax.u32 s11, $0x1;
	s7 =	sor.u32 s7, s8  }
0x10: {  	s8 =	smul.u32 $0x14000, s29;
	s12 =	sand.u32 $0x380, s12;
	s9 =	sshrl.u32 s7, $0x3  }
0x11: {  	s30 =	sadd.s32 $0xA0000, s7;
	s5 =	sadd.s32 s0, s9;
	s10 =	sor.u32 $0x10, s9  }
0x12: {  	s7 =	sadd.s32 s1, s9;
	s12 =	sor.u32 s12, s8;
	s6 =	sadd.s32 s0, s10  }
0x13: {  	s0 =	sshrl.u32 s30, $0x3;
	s9 =	sadd.s32 s1, s10;
	s31 =	sshrl.u32 s12, $0x3  }
0x14: {  	v0 =	vimm.f32 $0.0e+00;
	s12 =	simm.s32 $0x80;
	s8 =	sadd.s32 s1, s0;
	s10 =	sadd.s32 s1, s31  }
.LBB2_1:
0x15: {  	[tilespmem:s3], [sflag:$0x1] =	stream.strided.gather [hbm4b:s5+s12], $0x2800, s13, s12, $0x38;
	[tilespmem:$0x19600] =	vst v63  }
0x16: {  	s1 =	simm.s32 $0x40;
	s0 =	simm.s32 $0x0  }
0x17: {  	[tilespmem:s14], [sflag:$0x1] =	stream.strided.gather [hbm4b:s6+s12], $0x2800, s13, s12, $0x38;
	[tilespmem:$0x19600] =	vst v63  }
.LBB2_2:
0x18: {  	p0 =	sne.s32 s1, $0x9FC0;
	[tilespmem:s0+$0xF000] =	vst v0;
	s29 =	smov.u32 s1;
	s1 =	sadd.s32 $0x40, s1  }
.Ltmp0:
0x19: {  	[tilespmem:s0+$0xC800] =	vst v0;
	(pc) =	sbr.rel @p0 .LBB2_2-.Ltmp0, $4  }
0x1a: {  	[tilespmem:s0+$0xA000] =	vst v0  }
0x1b: {  	[tilespmem:s0+$0x5000] =	vst v0  }
0x1c: {  	[tilespmem:s0+$0x7800] =	vst v0  }
0x1d: {  	s0 =	sshra.s32 s29, $0x2  }
0x1e: {  	[tilespmem:s0+$0xF000] =	vst v0  }
0x1f: {  	[tilespmem:s0+$0xC800] =	vst v0  }
0x20: {  	[tilespmem:s0+$0xA000] =	vst v0  }
0x21: {  	[tilespmem:s0+$0x5000] =	vst v0  }
0x22: {  	[tilespmem:s0+$0x7800] =	vst v0  }
0x23: {  	_ =	swait.ge [sflag:s15], $0x2800  }
0x24: {  	[sflag:s15] =	ssyncset.done $0x0  }
0x25: {  	[sflag:s15] =	ssyncadd.s32 $0xFFFFD800  }
0x26: {  	_ =	swait.ge [sflag:s15], $0x2800  }
0x27: {  	[sflag:s15] =	ssyncset.done $0x0  }
0x28: {  	s29 =	simm.s32 $0x0;
	s31 =	simm.s32 $0x11800;
	[sflag:s15] =	ssyncadd.s32 $0xFFFFD800  }
0x29: {  	[tilespmem:s31], [sflag:$0x2] =	stream.linear.gather [hbm4b:s4+s29], $0x1F40, $0x38;
	[tilespmem:$0x19600] =	vst v63  }
0x2a: {  	s30 =	simm.s32 $0x0  }
0x2b: {  	[tilespmem:s17], [sflag:$0x2] =	stream.linear.gather [hbm4b:s2+s29], $0x1F40, $0x38;
	[tilespmem:$0x19600] =	vst v63  }
.LBB2_4:
0x2c: {  	_ =	swait.ge [sflag:s18], $0x1F40  }
0x2d: {  	s31 =	smul.u32 $0x3E80, s30;
	[sflag:s18] =	ssyncset.done $0x0  }
0x2e: {  	[sflag:s18] =	ssyncadd.s32 $0xFFFFE0C0  }
0x2f: {  	s0 =	sshrl.u32 s31, $0x3;
	_ =	swait.ge [sflag:s18], $0x1F40  }
0x30: {  	s0 =	sadd.s32 $0x3E8, s0;
	[sflag:s18] =	ssyncset.done $0x0  }
0x31: {  	s1 =	sadd.s32 s4, s0;
	[sflag:s18] =	ssyncadd.s32 $0xFFFFE0C0  }
0x32: {  	[tilespmem:s19], [sflag:$0x3] =	stream.linear.gather [hbm4b:s1+s29], $0x1F40, $0x38;
	[tilespmem:$0x19600] =	vst v63  }
0x33: {  	s16 =	simm.s32 $0x0;
	s0 =	sadd.s32 s2, s0  }
0x34: {  	[tilespmem:s20], [sflag:$0x3] =	stream.linear.gather [hbm4b:s0+s29], $0x1F40, $0x38;
	[tilespmem:$0x19600] =	vst v63  }
0x35: {  	v1 =	vld [tilespmem:s16+$0x11800];
	_ =	sdelay $0x3  }
0x36: {  	s1 =	simm.s32 $0x10  }
0x37: {  	v7 =	vld [tilespmem:s1+$0x11800];
	v4 =	vshrl.u32 v1, $0xE;
	_ =	sdelay $0x4  }
0x38: {  	v5 =	vshrl.u32 v7, $0xE;
	v3 =	vld.idx.msk [tilespmem:v4+s3+$0x0], $0xffff  }
0x39: {  	v2 =	vld [tilespmem:s16+$0x15700];
	_ =	sdelay $0x1  }
0x3a: {  	v1 =	vand.u32 $0x3FFF, v1;
	_ =	sdelay $0x1  }
0x3b: {  	s16 =	simm.s32 $0x20;
	v12 =	vld.idx.msk [tilespmem:v5+s3+$0x0], $0xffff;
	v6 =	vshll.u32 v3, $0x10  }
0x3c: {  	v9 =	vld [tilespmem:s16+$0x11800];
	v8 =	vand.u32 $0xFFFF0000, v3;
	v6 =	vmul.f32 v6, v2  }
0x3d: {  	v3 =	vld [tilespmem:s1+$0x15700];
	v8 =	vmul.f32 v8, v2  }
0x3e: {  	[tilespmem:v1+s21+$0x0] =	vst.idx.add.f32.msk $0xffff, v6  }
0x3f: {  	[tilespmem:v1+s22+$0x0] =	vst.idx.add.f32.msk $0xffff, v8  }
0x40: {  	v6 =	vld.idx.msk [tilespmem:v4+s14+$0x0], $0xffff;
	v4 =	vshll.u32 v12, $0x10  }
0x41: {  	v8 =	vshrl.u32 v9, $0xE  }
0x42: {  	v11 =	vand.u32 $0x3FFF, v7  }
0x43: {  	s0 =	simm.s32 $0x30;
	v13 =	vand.u32 $0xFFFF0000, v12;
	v12 =	vmul.f32 v4, v3;
	v4 =	vmov v11  }
0x44: {  	v10 =	vld [tilespmem:s0+$0x11800]  }
0x45: {  	v7 =	vld [tilespmem:s16+$0x15700];
	s1 =	simm.s32 $0x100  }
.LBB2_5:
0x46: {  	p0 =	sne.s32 s1, $0x7CC0;
	v14 =	vld.idx.msk [tilespmem:v8+s3+$0x0], $0xffff;
	v13 =	vmul.f32 v13, v3  }
0x47: {  	[tilespmem:v11+s21+$0x0] =	vst.idx.add.f32.msk $0xffff, v12;
	v11 =	vshll.u32 v6, $0x10  }
0x48: {  	v12 =	vand.u32 $0xFFFF0000, v6;
	[tilespmem:v4+s22+$0x0] =	vst.idx.add.f32.msk $0xffff, v13;
	v13 =	vmul.f32 v11, v2  }
.Ltmp1:
0x49: {  	v12 =	vmul.f32 v12, v2;
	v2 =	vmovc v3;
	v6 =	vld.idx.msk [tilespmem:v5+s14+$0x0], $0xffff;
	v5 =	vmov v8;
	v8 =	vshrl.u32 v10, $0xE;
	(pc) =	sbr.rel @p0 .LBB2_5-.Ltmp1, $4  }
0x4a: {  	v11 =	vand.u32 $0x3FFF, v9;
	v9 =	vmov v10;
	[tilespmem:v1+s23+$0x0] =	vst.idx.add.f32.msk $0xffff, v13;
	v3 =	vmov v7  }
0x4b: {  	s16 =	sshra.s32 s1, $0x2;
	[tilespmem:v1+s24+$0x0] =	vst.idx.add.f32.msk $0xffff, v12;
	v1 =	vmov v4;
	v4 =	vmov v11  }
0x4c: {  	v12 =	vshll.u32 v14, $0x10;
	v10 =	vld [tilespmem:s16+$0x11800]  }
0x4d: {  	s1 =	sadd.s32 $0x40, s1;
	v13 =	vand.u32 $0xFFFF0000, v14;
	v12 =	vmul.f32 v12, v3;
	v7 =	vld [tilespmem:s0+$0x15700];
	s0 =	smov.u32 s16  }
0x4e: {  	_ =	sdelay $0x2  }
0x4f: {  	v14 =	vshrl.u32 v10, $0xE  }
0x50: {  	v15 =	vld.idx.msk [tilespmem:v8+s3+$0x0], $0xffff;
	_ =	sdelay $0x2  }
0x51: {  	v9 =	vand.u32 $0x3FFF, v9  }
0x52: {  	v16 =	vld.idx.msk [tilespmem:v14+s3+$0x0], $0xffff  }
0x53: {  	v13 =	vmul.f32 v13, v3;
	v18 =	vld [tilespmem:s0+$0x15700];
	v17 =	vshll.u32 v15, $0x10  }
0x54: {  	[tilespmem:v11+s21+$0x0] =	vst.idx.add.f32.msk $0xffff, v12;
	v11 =	vand.u32 $0xFFFF0000, v15;
	v12 =	vmul.f32 v17, v7  }
0x55: {  	[tilespmem:v4+s22+$0x0] =	vst.idx.add.f32.msk $0xffff, v13;
	v10 =	vand.u32 $0x3FFF, v10;
	v11 =	vmul.f32 v11, v7  }
0x56: {  	[tilespmem:v9+s21+$0x0] =	vst.idx.add.f32.msk $0xffff, v12  }
0x57: {  	[tilespmem:v9+s22+$0x0] =	vst.idx.add.f32.msk $0xffff, v11;
	v11 =	vshll.u32 v16, $0x10  }
0x58: {  	v5 =	vld.idx.msk [tilespmem:v5+s14+$0x0], $0xffff;
	v12 =	vand.u32 $0xFFFF0000, v16;
	v11 =	vmul.f32 v11, v18  }
0x59: {  	v8 =	vld.idx.msk [tilespmem:v8+s14+$0x0], $0xffff;
	v12 =	vmul.f32 v12, v18  }
0x5a: {  	[tilespmem:v10+s21+$0x0] =	vst.idx.add.f32.msk $0xffff, v11  }
0x5b: {  	v11 =	vshll.u32 v6, $0x10;
	[tilespmem:v10+s22+$0x0] =	vst.idx.add.f32.msk $0xffff, v12  }
0x5c: {  	v6 =	vand.u32 $0xFFFF0000, v6;
	v11 =	vmul.f32 v11, v2;
	v12 =	vld.idx.msk [tilespmem:v14+s14+$0x0], $0xffff  }
0x5d: {  	v2 =	vmul.f32 v6, v2;
	v6 =	vshll.u32 v5, $0x10  }
0x5e: {  	v5 =	vand.u32 $0xFFFF0000, v5;
	v6 =	vmul.f32 v6, v3;
	[tilespmem:v1+s23+$0x0] =	vst.idx.add.f32.msk $0xffff, v11  }
0x5f: {  	[tilespmem:v1+s24+$0x0] =	vst.idx.add.f32.msk $0xffff, v2;
	v1 =	vmul.f32 v5, v3;
	v2 =	vshll.u32 v8, $0x10  }
0x60: {  	[tilespmem:v4+s23+$0x0] =	vst.idx.add.f32.msk $0xffff, v6;
	v3 =	vand.u32 $0xFFFF0000, v8;
	v2 =	vmul.f32 v2, v7  }
0x61: {  	[tilespmem:v4+s24+$0x0] =	vst.idx.add.f32.msk $0xffff, v1;
	v1 =	vmul.f32 v3, v7;
	v3 =	vshll.u32 v12, $0x10  }
0x62: {  	[tilespmem:v9+s23+$0x0] =	vst.idx.add.f32.msk $0xffff, v2;
	v2 =	vand.u32 $0xFFFF0000, v12;
	v3 =	vmul.f32 v3, v18  }
0x63: {  	[tilespmem:v9+s24+$0x0] =	vst.idx.add.f32.msk $0xffff, v1;
	v1 =	vmul.f32 v2, v18  }
0x64: {  	[tilespmem:v10+s23+$0x0] =	vst.idx.add.f32.msk $0xffff, v3  }
0x65: {  	[tilespmem:v10+s24+$0x0] =	vst.idx.add.f32.msk $0xffff, v1  }
0x66: {  	_ =	swait.ge [sflag:s25], $0x1F40  }
0x67: {  	[sflag:s25] =	ssyncset.done $0x0  }
0x68: {  	p0 =	seq.s32 s30, $0x13;
	[sflag:s25] =	ssyncadd.s32 $0xFFFFE0C0  }
0x69: {  	s0 =	sshrl.u32 @!p0 s31, $0x3;
	_ =	swait.ge [sflag:s25], $0x1F40  }
0x6a: {  	s16 =	simm.s32 @!p0 $0x0;
	s0 =	sadd.s32 @!p0 $0x7D0, s0;
	[sflag:s25] =	ssyncset.done $0x0  }
0x6b: {  	s31 =	simm.s32 @!p0 $0x11800;
	s1 =	sadd.s32 @!p0 s4, s0;
	[sflag:s25] =	ssyncadd.s32 $0xFFFFE0C0  }
0x6c: {  	[tilespmem:s31], [sflag:$0x2] =	stream.linear.gather @!p0 [hbm4b:s1+s16], $0x1F40, $0x38;
	[tilespmem:$0x19600] =	vst v63  }
0x6d: {  	s0 =	sadd.s32 @!p0 s2, s0;
	s1 =	simm.s32 @!p0 $0x15700  }
0x6e: {  	[tilespmem:s1], [sflag:$0x2] =	stream.linear.gather @!p0 [hbm4b:s0+s16], $0x1F40, $0x38;
	[tilespmem:$0x19600] =	vst v63  }
0x6f: {  	s1 =	simm.s32 $0x0  }
0x70: {  	v1 =	vld [tilespmem:s1+$0x13780];
	_ =	sdelay $0x3  }
0x71: {  	s16 =	simm.s32 $0x10  }
0x72: {  	v7 =	vld [tilespmem:s16+$0x13780];
	v4 =	vshrl.u32 v1, $0xE;
	_ =	sdelay $0x4  }
0x73: {  	v5 =	vshrl.u32 v7, $0xE;
	v3 =	vld.idx.msk [tilespmem:v4+s3+$0x0], $0xffff  }
0x74: {  	v2 =	vld [tilespmem:s1+$0x17680];
	_ =	sdelay $0x1  }
0x75: {  	v1 =	vand.u32 $0x3FFF, v1;
	_ =	sdelay $0x1  }
0x76: {  	s31 =	simm.s32 $0x20;
	v12 =	vld.idx.msk [tilespmem:v5+s3+$0x0], $0xffff;
	v6 =	vshll.u32 v3, $0x10  }
0x77: {  	v9 =	vld [tilespmem:s31+$0x13780];
	v8 =	vand.u32 $0xFFFF0000, v3;
	v6 =	vmul.f32 v6, v2  }
0x78: {  	v3 =	vld [tilespmem:s16+$0x17680];
	v8 =	vmul.f32 v8, v2  }
0x79: {  	[tilespmem:v1+s21+$0x0] =	vst.idx.add.f32.msk $0xffff, v6  }
0x7a: {  	[tilespmem:v1+s22+$0x0] =	vst.idx.add.f32.msk $0xffff, v8  }
0x7b: {  	v6 =	vld.idx.msk [tilespmem:v4+s14+$0x0], $0xffff;
	v4 =	vshll.u32 v12, $0x10  }
0x7c: {  	v8 =	vshrl.u32 v9, $0xE  }
0x7d: {  	v11 =	vand.u32 $0x3FFF, v7  }
0x7e: {  	s0 =	simm.s32 $0x30;
	v13 =	vand.u32 $0xFFFF0000, v12;
	v12 =	vmul.f32 v4, v3;
	v4 =	vmov v11  }
0x7f: {  	v10 =	vld [tilespmem:s0+$0x13780]  }
0x80: {  	s1 =	simm.s32 $0x100;
	v7 =	vld [tilespmem:s31+$0x17680]  }
.LBB2_7:
0x81: {  	p0 =	sne.s32 s1, $0x7CC0;
	v14 =	vld.idx.msk [tilespmem:v8+s3+$0x0], $0xffff;
	v13 =	vmul.f32 v13, v3  }
0x82: {  	[tilespmem:v11+s21+$0x0] =	vst.idx.add.f32.msk $0xffff, v12;
	v11 =	vshll.u32 v6, $0x10  }
0x83: {  	v12 =	vand.u32 $0xFFFF0000, v6;
	[tilespmem:v4+s22+$0x0] =	vst.idx.add.f32.msk $0xffff, v13;
	v13 =	vmul.f32 v11, v2  }
.Ltmp2:
0x84: {  	v12 =	vmul.f32 v12, v2;
	v2 =	vmovc v3;
	v6 =	vld.idx.msk [tilespmem:v5+s14+$0x0], $0xffff;
	v5 =	vmov v8;
	v8 =	vshrl.u32 v10, $0xE;
	(pc) =	sbr.rel @p0 .LBB2_7-.Ltmp2, $4  }
0x85: {  	v11 =	vand.u32 $0x3FFF, v9;
	v9 =	vmov v10;
	[tilespmem:v1+s23+$0x0] =	vst.idx.add.f32.msk $0xffff, v13;
	v3 =	vmov v7  }
0x86: {  	s16 =	sshra.s32 s1, $0x2;
	[tilespmem:v1+s24+$0x0] =	vst.idx.add.f32.msk $0xffff, v12;
	v1 =	vmov v4;
	v4 =	vmov v11  }
0x87: {  	v12 =	vshll.u32 v14, $0x10;
	v10 =	vld [tilespmem:s16+$0x13780]  }
0x88: {  	s1 =	sadd.s32 $0x40, s1;
	v13 =	vand.u32 $0xFFFF0000, v14;
	v12 =	vmul.f32 v12, v3;
	v7 =	vld [tilespmem:s0+$0x17680];
	s0 =	smov.u32 s16  }
0x89: {  	_ =	sdelay $0x2  }
0x8a: {  	v14 =	vshrl.u32 v10, $0xE;
	_ =	sdelay $0x1  }
0x8b: {  	v15 =	vld.idx.msk [tilespmem:v8+s3+$0x0], $0xffff;
	_ =	sdelay $0x2  }
0x8c: {  	v9 =	vand.u32 $0x3FFF, v9;
	v16 =	vld.idx.msk [tilespmem:v14+s3+$0x0], $0xffff  }
0x8d: {  	v13 =	vmul.f32 v13, v3;
	v18 =	vld [tilespmem:s0+$0x17680]  }
0x8e: {  	[tilespmem:v11+s21+$0x0] =	vst.idx.add.f32.msk $0xffff, v12;
	v17 =	vshll.u32 v15, $0x10  }
0x8f: {  	[tilespmem:v4+s22+$0x0] =	vst.idx.add.f32.msk $0xffff, v13;
	v57 =	vand.u32 $0x3FFF, v10;
	v55 =	vand.u32 $0xFFFF0000, v15;
	v56 =	vmul.f32 v17, v7  }
0x90: {  	v5 =	vld.idx.msk [tilespmem:v5+s14+$0x0], $0xffff;
	v11 =	vmul.f32 v55, v7  }
0x91: {  	[tilespmem:v9+s21+$0x0] =	vst.idx.add.f32.msk $0xffff, v56;
	v58 =	vshll.u32 v16, $0x10  }
0x92: {  	[tilespmem:v9+s22+$0x0] =	vst.idx.add.f32.msk $0xffff, v11;
	v59 =	vand.u32 $0xFFFF0000, v16;
	v11 =	vmul.f32 v58, v18  }
0x93: {  	v60 =	vld.idx.msk [tilespmem:v8+s14+$0x0], $0xffff;
	v12 =	vmul.f32 v59, v18  }
0x94: {  	[tilespmem:v57+s21+$0x0] =	vst.idx.add.f32.msk $0xffff, v11  }
0x95: {  	v61 =	vshll.u32 v6, $0x10;
	[tilespmem:v57+s22+$0x0] =	vst.idx.add.f32.msk $0xffff, v12  }
0x96: {  	v62 =	vand.u32 $0xFFFF0000, v6;
	v11 =	vmul.f32 v61, v2;
	v12 =	vld.idx.msk [tilespmem:v14+s14+$0x0], $0xffff  }
0x97: {  	v63 =	vshll.u32 v5, $0x10;
	v2 =	vmul.f32 v62, v2  }
0x98: {  	v5 =	vand.u32 $0xFFFF0000, v5;
	v6 =	vmul.f32 v63, v3;
	[tilespmem:v1+s23+$0x0] =	vst.idx.add.f32.msk $0xffff, v11  }
0x99: {  	s30 =	sadd.s32 $0x1, s30;
	[tilespmem:v1+s24+$0x0] =	vst.idx.add.f32.msk $0xffff, v2;
	v1 =	vmul.f32 v5, v3;
	v2 =	vshll.u32 v60, $0x10  }
0x9a: {  	p0 =	sne.s32 s30, $0x14;
	[tilespmem:v4+s23+$0x0] =	vst.idx.add.f32.msk $0xffff, v6;
	v3 =	vand.u32 $0xFFFF0000, v60;
	v2 =	vmul.f32 v2, v7  }
.Ltmp3:
0x9b: {  	[tilespmem:v4+s24+$0x0] =	vst.idx.add.f32.msk $0xffff, v1;
	v1 =	vmul.f32 v3, v7;
	v3 =	vshll.u32 v12, $0x10;
	(pc) =	sbr.rel @p0 .LBB2_4-.Ltmp3, $4  }
0x9c: {  	[tilespmem:v9+s23+$0x0] =	vst.idx.add.f32.msk $0xffff, v2;
	v2 =	vand.u32 $0xFFFF0000, v12;
	v3 =	vmul.f32 v3, v18  }
0x9d: {  	[tilespmem:v9+s24+$0x0] =	vst.idx.add.f32.msk $0xffff, v1;
	v1 =	vmul.f32 v2, v18  }
0x9e: {  	[tilespmem:v57+s23+$0x0] =	vst.idx.add.f32.msk $0xffff, v3  }
0x9f: {  	[tilespmem:v57+s24+$0x0] =	vst.idx.add.f32.msk $0xffff, v1  }
0xa0: {  	[hbm4b:s7+s12] =	stream.strided.scatter [tilespmem:s21], [sflag:$0x4], $0x2800, s13, s12, $0x38;
	[tilespmem:$0x19600] =	vst v63  }
0xa1: {  	_ =	swait.ge [sflag:s26], $0x2800  }
0xa2: {  	[sflag:s26] =	ssyncset.done $0x0  }
0xa3: {  	[sflag:s26] =	ssyncadd.s32 $0xFFFFD800  }
0xa4: {  	[hbm4b:s8+s12] =	stream.strided.scatter [tilespmem:s22], [sflag:$0x4], $0x2800, s13, s12, $0x38;
	[tilespmem:$0x19600] =	vst v63  }
0xa5: {  	_ =	swait.ge [sflag:s26], $0x2800  }
0xa6: {  	[sflag:s26] =	ssyncset.done $0x0  }
0xa7: {  	[sflag:s26] =	ssyncadd.s32 $0xFFFFD800  }
0xa8: {  	[hbm4b:s9+s12] =	stream.strided.scatter [tilespmem:s23], [sflag:$0x4], $0x2800, s13, s12, $0x38;
	[tilespmem:$0x19600] =	vst v63  }
0xa9: {  	s28 =	sadd.s32 $0x1, s28;
	_ =	swait.ge [sflag:s26], $0x2800  }
0xaa: {  	p0 =	sne.s32 s28, s11;
	[sflag:s26] =	ssyncset.done $0x0  }
.Ltmp4:
0xab: {  	[sflag:s26] =	ssyncadd.s32 $0xFFFFD800;
	(pc) =	sbr.rel @p0 .LBB2_1-.Ltmp4, $4  }
0xac: {  	[hbm4b:s10+s12] =	stream.strided.scatter [tilespmem:s24], [sflag:$0x4], $0x2800, s13, s12, $0x38;
	[tilespmem:$0x19600] =	vst v63  }
0xad: {  	_ =	swait.ge [sflag:s26], $0x2800  }
0xae: {  	[sflag:s26] =	ssyncset.done $0x0  }
0xaf: {  	[sflag:s26] =	ssyncadd.s32 $0xFFFFD800  }
0xb0: {  	_ =	sfence.sel $0x180000  }
0xb1: {  	[bflag:$0x0] =	sbarrier.arrive $0xFFFF  }
0xb2: {  	_ =	strace $0x9000004A  }
0xb3: {  	s0 =	stileid.u32;
	[bflag:$0x2] =	sbarrier.arrive $0xFFFF  }
0xb4: {  	p0 =	sne.s32 s0, $0x0;
	s0 =	rddreg [dreg:$0x3]  }
0xb5: {  	s0 =	sadd.s32 @!p0 $0x100000, s0  }
0xb6: {  	[sflag:s0] =	ssyncadd.tile.s32 @!p0 $0x1;
	_ =	shalt  }
.Lfunc_end2:
_tile_overlayer_lowered:
.L_overlay_start_2:
0xb7: {  	(tag) =	ssettag $0x2  }
0xb8: {  	s0 =	rddreg [dreg:$0x0];
	s2 =	stileid.u32  }
0xb9: {  	s1 =	rddreg [dreg:$0x1];
	p0 =	sne.s32 s2, $0x0  }
0xba: {  	s3 =	rddreg [dreg:$0x2];
	[bflag:$0x3] =	sbarrier.arrive $0xFFFF;
	s2 =	simm.s32 @!p0 $0x1C04  }
0xbb: {  	[timem:s3], [sflag:s2] =	dma.local @!p0 [hbm:s0], s1  }
0xbc: {  	s0 =	simm.s32 @!p0 $0x4  }
0xbd: {  	_ =	swait.ge @!p0 [sflag:s0], s1  }
0xbe: {  	s1 =	ssub.s32 @!p0 $0x0, s1;
	[sflag:s0] =	ssyncset.done @!p0 $0x0  }
0xbf: {  	[sflag:s0] =	ssyncadd.s32 @!p0 s1  }
0xc0: {  	[bflag:$0x3] =	sbarrier.arrive $0xFFFF  }
0xc1: {  	_ =	shalt  }

// kernel: kernel.7.cloned.1.call-start
scs
__scs_entry_jumppad:
0x0: {  	(pc) =	sbr.rel $0x88, $3  }
0x1: {  	(tag) =	ssettag $0x0;
	lr =	simm.s32 $0x1  }
0x2: {  	[smem:$0x3F94] =	sst lr;
	_ =	strace $0xD0000000  }
0x3: {  	_ = 	snop  }
0x4: {  	_ = 	snop  }
0x5: {  	_ = 	snop  }
0x6: {  	_ = 	snop  }
0x7: {  	_ = 	snop  }
__scs_overlays_trampoline_lowered:
0x8: {  	[smem:$0x3FA3] =	sst s0  }
0x9: {  	[smem:$0x3FA4] =	sst s1  }
0xa: {  	[smem:$0x3FA5] =	sst s2  }
0xb: {  	[smem:$0x3FA6] =	sst s3  }
0xc: {  	[smem:$0x3FA7] =	sst s4  }
0xd: {  	[smem:$0x3FA8] =	sst s5  }
0xe: {  	[smem:$0x3FA9] =	sst s6  }
0xf: {  	[smem:$0x3FAA] =	sst s7  }
0x10: {  	[smem:$0x3FAB] =	sst s8  }
0x11: {  	[smem:$0x3FAC] =	sst s9;
	s0 =	simm.s32 @!p0 $0x0  }
0x12: {  	s1 =	sld [smem:$0x3F92];
	s0 =	simm.s32 @p0 $0x1  }
0x13: {  	[smem:$0x3FAD] =	sst s0;
	s0 =	simm.s32 @!p1 $0x0  }
0x14: {  	s2 =	sld [smem:$0x3F91];
	s0 =	simm.s32 @p1 $0x1  }
0x15: {  	[smem:$0x3FAE] =	sst s0;
	s0 =	simm.s32 @!p2 $0x0  }
0x16: {  	s3 =	sld [smem:$0x3FDB];
	s0 =	simm.s32 @p2 $0x1  }
0x17: {  	s4 =	simm.s32 $0x1BF5;
	[smem:$0x3FB0] =	sst s0  }
0x18: {  	s0 =	sld [smem:$0x3F93];
	_ =	swait.ge [sflag:s4], $0x0  }
0x19: {  	s7 =	sld [smem:$0x3F94]  }
0x1a: {  	s8 =	sadd.s32 $0xFFFFE003, lr  }
0x1b: {  	s9 =	sadd.s32 $0xFFFFFEF7, lr;
	s5 =	simm.s32 $0xFFFFFFFF;
	p2 =	slt.u32 s8, $0xFFFFF086  }
0x1c: {  	p1 =	slt.u32 s9, $0xF7A;
	s5 =	simm.s32 @!p2 $0x0  }
0x1d: {  	s5 =	simm.s32 @p1 $0x1;
	p0 =	seq.s32 s7, s2  }
0x1e: {  	s7 =	smul.u32 @!p0 $0xF7A, s2;
	p2 =	seq.s32 @!p0 s5, $0x0  }
0x1f: {  	s9 =	smul.u32 $0xF7A, s1;
	s8 =	simm.s32 @!p0 $0x1BF5;
	p2 =	por !p2, p0  }
0x20: {  	[sflag:s8] =	ssyncset.s32 @!p0 $0xFFFFF086;
	s6 =	sadd.s32 @!p0 s3, s7;
	s7 =	simm.s32 @!p0 $0x108  }
0x21: {  	s3 =	sadd.s32 s3, s9;
	s6 =	sadd.s32 @!p0 $0x88, s6;
	s7 =	simm.s32 @p2 $0x1082  }
0x22: {  	[simem:s7], [sflag:s8] =	dma.local @!p0 [hbm:s6], $0xF7A  }
0x23: {  	s9 =	sor.u32 $0xD0000000, s2;
	s6 =	simm.s32 $0x108;
	_ =	swait.ge @!p0 [sflag:s8], $0x0  }
0x24: {  	s3 =	sadd.s32 $0x88, s3;
	s6 =	simm.s32 @!p1 $0x1082;
	[sflag:s4] =	ssyncset.s32 $0xFFFFF086  }
0x25: {  	[simem:s6], [sflag:s4] =	dma.local [hbm:s3], $0xF7A  }
0x26: {  	[smem:$0x3F94] =	sst s1;
	(tag) =	ssettag s2;
	_ =	strace s9  }
0x27: {  	s1 =	sld [smem:$0x3FA4]  }
0x28: {  	s2 =	sld [smem:$0x3FA5]  }
0x29: {  	s4 =	sld [smem:$0x3FA7]  }
0x2a: {  	p0 =	seq.s32 s5, $0x0;
	s5 =	sld [smem:$0x3FA8]  }
0x2b: {  	s6 =	sld [smem:$0x3FA9]  }
0x2c: {  	s7 =	sld [smem:$0x3FAA]  }
0x2d: {  	s3 =	simm.s32 $0x108;
	s8 =	sld [smem:$0x3FAB]  }
0x2e: {  	s3 =	simm.s32 @!p0 $0x1082;
	s9 =	sld [smem:$0x3FAC]  }
0x2f: {  	lr =	sadd.s32 s0, s3;
	s0 =	sld [smem:$0x3FA3]  }
0x30: {  	s3 =	sld [smem:$0x3FA6]  }
0x31: {  	[smem:$0x3FAF] =	sst s10  }
0x32: {  	s10 =	sld [smem:$0x3FAD];
	_ =	sdelay $0x3  }
0x33: {  	p0 =	seq.s32 s10, $0x1;
	s10 =	sld [smem:$0x3FAF];
	_ =	sdelay $0x3  }
0x34: {  	[smem:$0x3FAF] =	sst s10  }
0x35: {  	s10 =	sld [smem:$0x3FAE];
	_ =	sdelay $0x3  }
0x36: {  	p1 =	seq.s32 s10, $0x1;
	s10 =	sld [smem:$0x3FAF];
	_ =	sdelay $0x3  }
0x37: {  	[smem:$0x3FAF] =	sst s10  }
0x38: {  	s10 =	sld [smem:$0x3FB0]  }
0x39: {  	_ = 	snop;
	(pc) =	sbr.ind lr, $3  }
0x3a: {  	_ = 	snop  }
0x3b: {  	_ = 	snop  }
0x3c: {  	p2 =	seq.s32 s10, $0x1;
	s10 =	sld [smem:$0x3FAF]  }
0x3d: {  	_ =	shalt  }
0x3e: {  	_ =	shalt  }
0x3f: {  	_ =	shalt  }
0x40: {  	_ =	shalt  }
0x41: {  	_ =	shalt  }
0x42: {  	_ =	shalt  }
0x43: {  	_ =	shalt  }
0x44: {  	_ =	shalt  }
0x45: {  	_ =	shalt  }
0x46: {  	_ =	shalt  }
0x47: {  	_ =	shalt  }
0x48: {  	_ =	shalt  }
0x49: {  	_ =	shalt  }
0x4a: {  	_ =	shalt  }
0x4b: {  	_ =	shalt  }
0x4c: {  	_ =	shalt  }
0x4d: {  	_ =	shalt  }
0x4e: {  	_ =	shalt  }
0x4f: {  	_ =	shalt  }
0x50: {  	_ =	shalt  }
0x51: {  	_ =	shalt  }
0x52: {  	_ =	shalt  }
0x53: {  	_ =	shalt  }
0x54: {  	_ =	shalt  }
0x55: {  	_ =	shalt  }
0x56: {  	_ =	shalt  }
0x57: {  	_ =	shalt  }
0x58: {  	_ =	shalt  }
0x59: {  	_ =	shalt  }
0x5a: {  	_ =	shalt  }
0x5b: {  	_ =	shalt  }
0x5c: {  	_ =	shalt  }
0x5d: {  	_ =	shalt  }
0x5e: {  	_ =	shalt  }
0x5f: {  	_ =	shalt  }
0x60: {  	_ =	shalt  }
0x61: {  	_ =	shalt  }
0x62: {  	_ =	shalt  }
0x63: {  	_ =	shalt  }
0x64: {  	_ =	shalt  }
0x65: {  	_ =	shalt  }
0x66: {  	_ =	shalt  }
0x67: {  	_ =	shalt  }
0x68: {  	_ =	shalt  }
0x69: {  	_ =	shalt  }
0x6a: {  	_ =	shalt  }
0x6b: {  	_ =	shalt  }
0x6c: {  	_ =	shalt  }
0x6d: {  	_ =	shalt  }
0x6e: {  	_ =	shalt  }
0x6f: {  	_ =	shalt  }
0x70: {  	_ =	shalt  }
0x71: {  	_ =	shalt  }
0x72: {  	_ =	shalt  }
0x73: {  	_ =	shalt  }
0x74: {  	_ =	shalt  }
0x75: {  	_ =	shalt  }
0x76: {  	_ =	shalt  }
0x77: {  	_ =	shalt  }
0x78: {  	_ =	shalt  }
0x79: {  	_ =	shalt  }
0x7a: {  	_ =	shalt  }
0x7b: {  	_ =	shalt  }
0x7c: {  	_ =	shalt  }
0x7d: {  	_ =	shalt  }
0x7e: {  	_ =	shalt  }
0x7f: {  	_ =	shalt  }
0x80: {  	_ =	shalt  }
0x81: {  	_ =	shalt  }
0x82: {  	_ =	shalt  }
0x83: {  	_ =	shalt  }
0x84: {  	_ =	shalt  }
0x85: {  	_ =	shalt  }
0x86: {  	_ =	shalt  }
0x87: {  	_ =	shalt  }
.Lfunc_end0:
.L_simem_size_0:
called_computation_lowered:
.L_overlay_start_0:
0x88: {  	s2 =	sld [smem:$0x3FD9]  }
0x89: {  	s3 =	sld [smem:$0x3FFE];
	_ =	sdelay $0x1  }
0x8a: {  	s1 =	srdreg.scid  }
0x8b: {  	s0 =	sand.u32 $0x1, s1  }
0x8c: {  	s17 =	sshll.u32 s0, $0xA;
	s2 =	sadd.s32 s3, s2  }
0x8d: {  	s2 =	sadd.s32 s2, s17  }
0x8e: {  	[smem:$0x3FBB] =	sst s2  }
0x8f: {  	_ = 	snop  }
0x90: {  	s2 =	sld [smem:$0x3FC7]  }
0x91: {  	s18 =	sld [smem:$0x3FD0];
	(tm) =	ssettm $0x1  }
0x92: {  	s4 =	sld [smem:$0x3FFB];
	_ =	sdelay $0x3  }
0x93: {  	_ =	strace s4  }
0x94: {  	s4 =	sld [smem:$0x3FFC];
	_ =	sdelay $0x3  }
0x95: {  	_ =	strace s4  }
0x96: {  	s4 =	sld [smem:$0x3FFD];
	_ =	sdelay $0x3  }
0x97: {  	_ =	strace s4  }
0x98: {  	_ =	strace $0x8FFFFFFF  }
0x99: {  	s19 =	sld [smem:$0x3FDB];
	_ =	sdelay $0x1  }
0x9a: {  	s5 =	simm.s32 $_scs_section_size  }
0x9b: {  	s6 =	simm.s32 $_size__tile_overlayer_lowered;
	s7 =	simm.s32 $_tile_overlayer_lowered  }
0x9c: {  	s22 =	simm.s32 $0x1BFF;
	s21 =	sshll.u32 s7, $0x1;
	s4 =	sadd.s32 s5, s19  }
0x9d: {  	s8 =	simm.s32 $0x0;
	s20 =	sshll.u32 s6, $0x1;
	s6 =	sadd.s32 s21, s4  }
0x9e: {  	[timem:s8], [sflag:s22] =	dma.local [hbm:s6], s20  }
0x9f: {  	_ =	swait.ge [sflag:s22], s20  }
0xa0: {  	s5 =	ssub.s32 $0x0, s20;
	[sflag:s22] =	ssyncset.done $0x0  }
0xa1: {  	[sflag:s22] =	ssyncadd.s32 s5;
	_ =	sdelay $0x1  }
0xa2: {  	s23 =	simm.s32 $0x1B8B  }
0xa3: {  	_ =	swait.ge [sflag:s23], $0x1  }
0xa4: {  	[sflag:s23] =	ssyncset.done $0x0  }
0xa5: {  	s25 =	simm.s32 $0x1B8E;
	s24 =	sld [smem:$0x3FFE];
	[sflag:s23] =	ssyncadd.s32 $0xFFFFFFFF  }
0xa6: {  	s26 =	simm.s32 $execute0_lowered;
	[smem:$0x3FD2] =	sst s25  }
0xa7: {  	s6 =	sshll.u32 s26, $0x1;
	_ =	strace $0x80000046;
	[dreg:$0x1] =	wrdreg $0xFFFFFFFF  }
0xa8: {  	s28 =	simm.s32 $_size_execute0_lowered;
	s4 =	sadd.s32 s4, s6;
	[dreg:$0x0] =	wrdreg $0x0  }
0xa9: {  	s6 =	sshll.u32 s28, $0x1;
	[dreg:$0x2] =	wrdreg s4  }
0xaa: {  	[dreg:$0x3] =	wrdreg s6  }
0xab: {  	[dreg:$0x4] =	wrdreg $0xC0  }
0xac: {  	_ =	task [dreg:s8], $0x5FFFF  }
0xad: {  	[dreg:$0x1] =	wrdreg $0xFFFFFFFF  }
0xae: {  	[dreg:$0x0] =	wrdreg $0x60  }
0xaf: {  	[dreg:$0x2] =	wrdreg s18  }
0xb0: {  	[dreg:$0x3] =	wrdreg s24  }
0xb1: {  	[dreg:$0x4] =	wrdreg s2  }
0xb2: {  	[dreg:$0x5] =	wrdreg $0x9  }
0xb3: {  	_ =	task.clear_ibuf [dreg:s8], $0x6FFFF;
	_ =	strace $0x90000046  }
0xb4: {  	s29 =	simm.s32 $0x9;
	_ =	strace $0x80000048  }
0xb5: {  	_ =	swait.ge [sflag:s29], $0x1  }
0xb6: {  	[sflag:s29] =	ssyncadd.s32 $0xFFFFFFFF  }
0xb7: {  	_ =	strace $0x90000048  }
0xb8: {  	_ =	sfence  }
0xb9: {  	s30 =	sld [smem:$0x0];
	_ =	sdelay $0x2  }
0xba: {  	s31 =	sshll.u32 s1, $0xD;
	s1 =	sshrl.u32 s1, $0x2  }
0xbb: {  	s3 =	sand.u32 $0x4000, s31;
	s1 =	sadd.s32 s1, s30  }
0xbc: {  	s0 =	sor.u32 s3, s0;
	s1 =	sshll.u32 s1, $0x11  }
0xbd: {  	s0 =	sor.u32 s1, s0  }
0xbe: {  	s0 =	sadd.s32 $0x8F2B, s0  }
0xbf: {  	[sflag:s0] =	ssyncadd.remote.s32 $0x1  }
0xc0: {  	_ =	sfence.sel $0xFFFF  }
0xc1: {  	[dreg:$0x0] =	wrdreg $0xFFFFFFFF;
	(pc) =	sbr.abs _section_cstart, $3  }
0xc2: {  	[dreg:$0x1] =	wrdreg $0xFFFFFFFF  }
0xc3: {  	_ =	task.clear_ibuf [dreg:s8], $0x2FFFF;
	_ =	strace $0x9FFFFFFF  }
0xc4: {  	(tm) =	ssettm $0x7FFFFFFF  }
0xc5: {  	_ =	shalt  }
tec
execute0_lowered:
.L_overlay_start_1:
0x0: {  	(tag) =	ssettag $0x1  }
0x1: {  	s0 =	rddreg [dreg:$0x0]  }
0x2: {  	s1 =	rddreg [dreg:$0x1];
	s3 =	srdreg.scid  }
0x3: {  	s9 =	stileid.u32;
	s2 =	rddreg [dreg:$0x2]  }
0x4: {  	s28 =	simm.s32 $0x5000;
	s29 =	simm.s32 $0x7800;
	s30 =	simm.s32 $0xA000  }
0x5: {  	s31 =	simm.s32 $0xC800;
	s5 =	sand.u32 $0x1, s3;
	s13 =	sshll.u32 s9, $0x1  }
0x6: {  	s4 =	sshrl.u32 s9, $0x2;
	s3 =	simm.s32 $0x0;
	s15 =	sadd.s32 $0xCE00, s1  }
0x7: {  	s9 =	sshrl.u32 s9, $0x1;
	s6 =	sor.u32 s5, s13;
	s7 =	smul.u32 $0x14000, s4  }
0x8: {  	[smem:$0x7FF] =	sst s3;
	s4 =	sadd.s32 $0x3000, s1;
	s16 =	smul.u32 $0x14000, s9  }
0x9: {  	s5 =	ssub.s32 $0x2, s5;
	s14 =	sshll.u32 s6, $0x7;
	_ =	strace $0x80000047  }
0xa: {  	s17 =	sshll.u32 s6, $0x8;
	s10 =	sshll.u32 s6, $0x1;
	s11 =	sshrl.u32 s5, $0x1  }
0xb: {  	s6 =	smul.u32 $0x2710, s6;
	s8 =	sand.u32 $0x380, s14;
	s9 =	sand.u32 $0x300, s17  }
0xc: {  	s18 =	sor.u32 $0x41, s10;
	s5 =	ssub.s32 s5, s11;
	s7 =	sor.u32 s7, s8  }
0xd: {  	s20 =	sshrl.u32 s18, $0x3;
	s22 =	sshll.u32 s18, $0x7;
	s6 =	sshrl.u32 s6, $0x3  }
0xe: {  	s17 =	smax.u32 s5, $0x1;
	s18 =	simm.s32 $0x80;
	s5 =	simm.s32 $0xF000  }
0xf: {  	s7 =	sshrl.u32 s7, $0x3;
	s11 =	smul.u32 $0x14000, s20;
	s20 =	simm.s32 $0x2800  }
0x10: {  	s1 =	sadd.s32 s7, s1;
	s7 =	sor.u32 s16, s9;
	s9 =	sadd.s32 s4, s6  }
0x11: {  	s6 =	simm.s32 $0x0;
	s19 =	sshrl.u32 s7, $0x3;
	s7 =	sadd.s32 $0xA0000, s7  }
0x12: {  	s25 =	sadd.s32 $0xFA, s9;
	s26 =	sadd.s32 $0x1F4, s9;
	s14 =	sadd.s32 $0x2EE, s9  }
0x13: {  	s16 =	sadd.s32 $0x34E00, s1;
	s1 =	simm.s32 $0x3;
	s12 =	sadd.s32 s0, s19  }
0x14: {  	s21 =	sor.u32 $0x10, s19;
	s23 =	sadd.s32 s15, s19;
	[dreg:$0xa] =	wrdreg s25  }
0x15: {  	s7 =	sshrl.u32 s7, $0x3;
	[dreg:$0xb] =	wrdreg s26;
	s19 =	simm.s32 $0x400  }
0x16: {  	s25 =	simm.s32 $0x13780;
	s26 =	simm.s32 $0x17680;
	[dreg:$0x4] =	wrdreg s12  }
0x17: {  	s0 =	sadd.s32 s0, s21;
	[dreg:$0x6] =	wrdreg s23;
	s7 =	sadd.s32 s15, s7  }
0x18: {  	s24 =	sadd.s32 s15, s21;
	[dreg:$0x5] =	wrdreg s0;
	s0 =	sand.u32 $0x380, s22  }
0x19: {  	s21 =	simm.s32 $0x1;
	[dreg:$0x7] =	wrdreg s7;
	s0 =	sor.u32 s0, s11  }
0x1a: {  	s23 =	simm.s32 $0x19E00;
	[dreg:$0x8] =	wrdreg s24;
	s0 =	sshrl.u32 s0, $0x3  }
0x1b: {  	s24 =	simm.s32 $0x2;
	s22 =	simm.s32 $0x19600;
	s0 =	sadd.s32 s15, s0  }
0x1c: {  	v0 =	vimm.f32 $0.0e+00;
	v1 =	vimm.f32 $1.000000000e+00;
	s15 =	sadd.s32 $0x3E8, s9;
	[dreg:$0x9] =	wrdreg s0;
	s0 =	simm.s32 $0x4  }
.LBB2_1:
0x1d: {  	s7 =	rddreg [dreg:$0x4]  }
0x1e: {  	[tilespmem:s3], [sflag:$0x1] =	stream.strided.gather [hbm4b:s7+s18], $0x2800, s19, s18, $0x38;
	[tilespmem:$0x1A600] =	vst v63  }
0x1f: {  	s13 =	rddreg [dreg:$0x5];
	s8 =	simm.s32 $0x40;
	s7 =	simm.s32 $0x0  }
0x20: {  	[tilespmem:s20], [sflag:$0x1] =	stream.strided.gather [hbm4b:s13+s18], $0x2800, s19, s18, $0x38;
	[tilespmem:$0x1A600] =	vst v63  }
.LBB2_2:
0x21: {  	p0 =	sne.s32 s8, $0x9FC0;
	[tilespmem:s7+$0xF000] =	vst v0;
	s10 =	smov.u32 s8;
	s8 =	sadd.s32 $0x40, s8  }
.Ltmp0:
0x22: {  	[tilespmem:s7+$0xC800] =	vst v0;
	(pc) =	sbr.rel @p0 .LBB2_2-.Ltmp0, $4  }
0x23: {  	[tilespmem:s7+$0xA000] =	vst v0  }
0x24: {  	[tilespmem:s7+$0x5000] =	vst v0  }
0x25: {  	[tilespmem:s7+$0x7800] =	vst v0  }
0x26: {  	s7 =	sshra.s32 s10, $0x2  }
0x27: {  	[tilespmem:s7+$0xF000] =	vst v0  }
0x28: {  	[tilespmem:s7+$0xC800] =	vst v0  }
0x29: {  	[tilespmem:s7+$0xA000] =	vst v0  }
0x2a: {  	[tilespmem:s7+$0x5000] =	vst v0  }
0x2b: {  	[tilespmem:s7+$0x7800] =	vst v0  }
0x2c: {  	_ =	swait.ge [sflag:s21], $0x2800  }
0x2d: {  	[sflag:s21] =	ssyncset.done $0x0  }
0x2e: {  	[sflag:s21] =	ssyncadd.s32 $0xFFFFD800  }
0x2f: {  	_ =	swait.ge [sflag:s21], $0x2800  }
0x30: {  	[sflag:s21] =	ssyncset.done $0x0  }
0x31: {  	s7 =	simm.s32 $0x0;
	s8 =	simm.s32 $0x11800;
	[sflag:s21] =	ssyncadd.s32 $0xFFFFD800  }
0x32: {  	[tilespmem:s8], [sflag:$0x2] =	stream.linear.gather [hbm4b:s4+s7], $0x1F40, $0x38;
	[tilespmem:$0x1A600] =	vst v63  }
0x33: {  	s13 =	simm.s32 $0x15700;
	s8 =	simm.s32 $0x0  }
0x34: {  	[tilespmem:s13], [sflag:$0x2] =	stream.linear.gather [hbm4b:s2+s7], $0x1F40, $0x38;
	[tilespmem:$0x1A600] =	vst v63  }
.LBB2_4:
0x35: {  	_ =	swait.ge [sflag:s24], $0x1F40  }
0x36: {  	s10 =	smul.u32 $0x3E80, s8;
	[sflag:s24] =	ssyncset.done $0x0  }
0x37: {  	[sflag:s24] =	ssyncadd.s32 $0xFFFFE0C0  }
0x38: {  	s11 =	sshrl.u32 s10, $0x3;
	_ =	swait.ge [sflag:s24], $0x1F40  }
0x39: {  	s11 =	sadd.s32 $0x3E8, s11;
	[sflag:s24] =	ssyncset.done $0x0  }
0x3a: {  	s12 =	sadd.s32 s4, s11;
	[sflag:s24] =	ssyncadd.s32 $0xFFFFE0C0  }
0x3b: {  	[tilespmem:s25], [sflag:$0x3] =	stream.linear.gather [hbm4b:s12+s7], $0x1F40, $0x38;
	[tilespmem:$0x1A600] =	vst v63  }
0x3c: {  	s13 =	simm.s32 $0x0;
	s11 =	sadd.s32 s2, s11  }
0x3d: {  	[tilespmem:s26], [sflag:$0x3] =	stream.linear.gather [hbm4b:s11+s7], $0x1F40, $0x38;
	[tilespmem:$0x1A600] =	vst v63  }
0x3e: {  	v2 =	vld [tilespmem:s13+$0x11800];
	_ =	sdelay $0x3  }
0x3f: {  	s12 =	simm.s32 $0x10  }
0x40: {  	v8 =	vld [tilespmem:s12+$0x11800];
	v5 =	vshrl.u32 v2, $0xE;
	_ =	sdelay $0x4  }
0x41: {  	v6 =	vshrl.u32 v8, $0xE;
	v4 =	vld.idx.msk [tilespmem:v5+s3+$0x0], $0xffff  }
0x42: {  	v3 =	vld [tilespmem:s13+$0x15700];
	_ =	sdelay $0x1  }
0x43: {  	v2 =	vand.u32 $0x3FFF, v2;
	_ =	sdelay $0x1  }
0x44: {  	s13 =	simm.s32 $0x20;
	v13 =	vld.idx.msk [tilespmem:v6+s3+$0x0], $0xffff;
	v7 =	vshll.u32 v4, $0x10  }
0x45: {  	v10 =	vld [tilespmem:s13+$0x11800];
	v9 =	vand.u32 $0xFFFF0000, v4;
	v7 =	vmul.f32 v7, v3  }
0x46: {  	v4 =	vld [tilespmem:s12+$0x15700];
	v9 =	vmul.f32 v9, v3  }
0x47: {  	[tilespmem:v2+s28+$0x0] =	vst.idx.add.f32.msk $0xffff, v7  }
0x48: {  	[tilespmem:v2+s29+$0x0] =	vst.idx.add.f32.msk $0xffff, v9  }
0x49: {  	v7 =	vld.idx.msk [tilespmem:v5+s20+$0x0], $0xffff;
	v5 =	vshll.u32 v13, $0x10  }
0x4a: {  	v9 =	vshrl.u32 v10, $0xE  }
0x4b: {  	v12 =	vand.u32 $0x3FFF, v8  }
0x4c: {  	s11 =	simm.s32 $0x30;
	v14 =	vand.u32 $0xFFFF0000, v13;
	v13 =	vmul.f32 v5, v4;
	v5 =	vmov v12  }
0x4d: {  	v11 =	vld [tilespmem:s11+$0x11800]  }
0x4e: {  	v8 =	vld [tilespmem:s13+$0x15700];
	s12 =	simm.s32 $0x100  }
.LBB2_5:
0x4f: {  	p0 =	sne.s32 s12, $0x7CC0;
	v15 =	vld.idx.msk [tilespmem:v9+s3+$0x0], $0xffff;
	v14 =	vmul.f32 v14, v4  }
0x50: {  	[tilespmem:v12+s28+$0x0] =	vst.idx.add.f32.msk $0xffff, v13;
	v12 =	vshll.u32 v7, $0x10  }
0x51: {  	v13 =	vand.u32 $0xFFFF0000, v7;
	[tilespmem:v5+s29+$0x0] =	vst.idx.add.f32.msk $0xffff, v14;
	v14 =	vmul.f32 v12, v3  }
.Ltmp1:
0x52: {  	v13 =	vmul.f32 v13, v3;
	v3 =	vmovc v4;
	v7 =	vld.idx.msk [tilespmem:v6+s20+$0x0], $0xffff;
	v6 =	vmov v9;
	v9 =	vshrl.u32 v11, $0xE;
	(pc) =	sbr.rel @p0 .LBB2_5-.Ltmp1, $4  }
0x53: {  	v12 =	vand.u32 $0x3FFF, v10;
	v10 =	vmov v11;
	[tilespmem:v2+s30+$0x0] =	vst.idx.add.f32.msk $0xffff, v14;
	v4 =	vmov v8  }
0x54: {  	s13 =	sshra.s32 s12, $0x2;
	[tilespmem:v2+s31+$0x0] =	vst.idx.add.f32.msk $0xffff, v13;
	v2 =	vmov v5;
	v5 =	vmov v12  }
0x55: {  	v13 =	vshll.u32 v15, $0x10;
	v11 =	vld [tilespmem:s13+$0x11800]  }
0x56: {  	s12 =	sadd.s32 $0x40, s12;
	v14 =	vand.u32 $0xFFFF0000, v15;
	v13 =	vmul.f32 v13, v4;
	v8 =	vld [tilespmem:s11+$0x15700];
	s11 =	smov.u32 s13  }
0x57: {  	_ =	sdelay $0x2  }
0x58: {  	v15 =	vshrl.u32 v11, $0xE  }
0x59: {  	v16 =	vld.idx.msk [tilespmem:v9+s3+$0x0], $0xffff;
	_ =	sdelay $0x2  }
0x5a: {  	v10 =	vand.u32 $0x3FFF, v10  }
0x5b: {  	v17 =	vld.idx.msk [tilespmem:v15+s3+$0x0], $0xffff  }
0x5c: {  	v14 =	vmul.f32 v14, v4;
	v19 =	vld [tilespmem:s11+$0x15700];
	v18 =	vshll.u32 v16, $0x10  }
0x5d: {  	[tilespmem:v12+s28+$0x0] =	vst.idx.add.f32.msk $0xffff, v13;
	v12 =	vand.u32 $0xFFFF0000, v16;
	v13 =	vmul.f32 v18, v8  }
0x5e: {  	[tilespmem:v5+s29+$0x0] =	vst.idx.add.f32.msk $0xffff, v14;
	v11 =	vand.u32 $0x3FFF, v11;
	v12 =	vmul.f32 v12, v8  }
0x5f: {  	[tilespmem:v10+s28+$0x0] =	vst.idx.add.f32.msk $0xffff, v13  }
0x60: {  	[tilespmem:v10+s29+$0x0] =	vst.idx.add.f32.msk $0xffff, v12;
	v12 =	vshll.u32 v17, $0x10  }
0x61: {  	v6 =	vld.idx.msk [tilespmem:v6+s20+$0x0], $0xffff;
	v13 =	vand.u32 $0xFFFF0000, v17;
	v12 =	vmul.f32 v12, v19  }
0x62: {  	v9 =	vld.idx.msk [tilespmem:v9+s20+$0x0], $0xffff;
	v13 =	vmul.f32 v13, v19  }
0x63: {  	[tilespmem:v11+s28+$0x0] =	vst.idx.add.f32.msk $0xffff, v12  }
0x64: {  	v12 =	vshll.u32 v7, $0x10;
	[tilespmem:v11+s29+$0x0] =	vst.idx.add.f32.msk $0xffff, v13  }
0x65: {  	v7 =	vand.u32 $0xFFFF0000, v7;
	v12 =	vmul.f32 v12, v3;
	v13 =	vld.idx.msk [tilespmem:v15+s20+$0x0], $0xffff  }
0x66: {  	v3 =	vmul.f32 v7, v3;
	v7 =	vshll.u32 v6, $0x10  }
0x67: {  	v6 =	vand.u32 $0xFFFF0000, v6;
	v7 =	vmul.f32 v7, v4;
	[tilespmem:v2+s30+$0x0] =	vst.idx.add.f32.msk $0xffff, v12  }
0x68: {  	[tilespmem:v2+s31+$0x0] =	vst.idx.add.f32.msk $0xffff, v3;
	v2 =	vmul.f32 v6, v4;
	v3 =	vshll.u32 v9, $0x10  }
0x69: {  	[tilespmem:v5+s30+$0x0] =	vst.idx.add.f32.msk $0xffff, v7;
	v4 =	vand.u32 $0xFFFF0000, v9;
	v3 =	vmul.f32 v3, v8  }
0x6a: {  	[tilespmem:v5+s31+$0x0] =	vst.idx.add.f32.msk $0xffff, v2;
	v2 =	vmul.f32 v4, v8;
	v4 =	vshll.u32 v13, $0x10  }
0x6b: {  	[tilespmem:v10+s30+$0x0] =	vst.idx.add.f32.msk $0xffff, v3;
	v3 =	vand.u32 $0xFFFF0000, v13;
	v4 =	vmul.f32 v4, v19  }
0x6c: {  	[tilespmem:v10+s31+$0x0] =	vst.idx.add.f32.msk $0xffff, v2;
	v2 =	vmul.f32 v3, v19  }
0x6d: {  	[tilespmem:v11+s30+$0x0] =	vst.idx.add.f32.msk $0xffff, v4  }
0x6e: {  	[tilespmem:v11+s31+$0x0] =	vst.idx.add.f32.msk $0xffff, v2  }
0x6f: {  	_ =	swait.ge [sflag:s1], $0x1F40  }
0x70: {  	[sflag:s1] =	ssyncset.done $0x0  }
0x71: {  	p0 =	seq.s32 s8, $0x13;
	[sflag:s1] =	ssyncadd.s32 $0xFFFFE0C0  }
0x72: {  	s10 =	sshrl.u32 @!p0 s10, $0x3;
	_ =	swait.ge [sflag:s1], $0x1F40  }
0x73: {  	s12 =	simm.s32 @!p0 $0x0;
	s10 =	sadd.s32 @!p0 $0x7D0, s10;
	[sflag:s1] =	ssyncset.done $0x0  }
0x74: {  	s13 =	simm.s32 @!p0 $0x11800;
	s11 =	sadd.s32 @!p0 s4, s10;
	[sflag:s1] =	ssyncadd.s32 $0xFFFFE0C0  }
0x75: {  	[tilespmem:s13], [sflag:$0x2] =	stream.linear.gather @!p0 [hbm4b:s11+s12], $0x1F40, $0x38;
	[tilespmem:$0x1A600] =	vst v63  }
0x76: {  	s10 =	sadd.s32 @!p0 s2, s10;
	s11 =	simm.s32 @!p0 $0x15700  }
0x77: {  	[tilespmem:s11], [sflag:$0x2] =	stream.linear.gather @!p0 [hbm4b:s10+s12], $0x1F40, $0x38;
	[tilespmem:$0x1A600] =	vst v63  }
0x78: {  	s11 =	simm.s32 $0x0  }
0x79: {  	v2 =	vld [tilespmem:s11+$0x13780];
	_ =	sdelay $0x3  }
0x7a: {  	s12 =	simm.s32 $0x10  }
0x7b: {  	v8 =	vld [tilespmem:s12+$0x13780];
	v5 =	vshrl.u32 v2, $0xE;
	_ =	sdelay $0x4  }
0x7c: {  	v6 =	vshrl.u32 v8, $0xE;
	v4 =	vld.idx.msk [tilespmem:v5+s3+$0x0], $0xffff  }
0x7d: {  	v3 =	vld [tilespmem:s11+$0x17680];
	_ =	sdelay $0x1  }
0x7e: {  	v2 =	vand.u32 $0x3FFF, v2;
	_ =	sdelay $0x1  }
0x7f: {  	s13 =	simm.s32 $0x20;
	v13 =	vld.idx.msk [tilespmem:v6+s3+$0x0], $0xffff;
	v7 =	vshll.u32 v4, $0x10  }
0x80: {  	v10 =	vld [tilespmem:s13+$0x13780];
	v9 =	vand.u32 $0xFFFF0000, v4;
	v7 =	vmul.f32 v7, v3  }
0x81: {  	v4 =	vld [tilespmem:s12+$0x17680];
	v9 =	vmul.f32 v9, v3  }
0x82: {  	[tilespmem:v2+s28+$0x0] =	vst.idx.add.f32.msk $0xffff, v7  }
0x83: {  	[tilespmem:v2+s29+$0x0] =	vst.idx.add.f32.msk $0xffff, v9  }
0x84: {  	v7 =	vld.idx.msk [tilespmem:v5+s20+$0x0], $0xffff;
	v5 =	vshll.u32 v13, $0x10  }
0x85: {  	v9 =	vshrl.u32 v10, $0xE  }
0x86: {  	v12 =	vand.u32 $0x3FFF, v8  }
0x87: {  	s10 =	simm.s32 $0x30;
	v14 =	vand.u32 $0xFFFF0000, v13;
	v13 =	vmul.f32 v5, v4;
	v5 =	vmov v12  }
0x88: {  	v11 =	vld [tilespmem:s10+$0x13780]  }
0x89: {  	s11 =	simm.s32 $0x100;
	v8 =	vld [tilespmem:s13+$0x17680]  }
.LBB2_7:
0x8a: {  	p0 =	sne.s32 s11, $0x7CC0;
	v15 =	vld.idx.msk [tilespmem:v9+s3+$0x0], $0xffff;
	v14 =	vmul.f32 v14, v4  }
0x8b: {  	[tilespmem:v12+s28+$0x0] =	vst.idx.add.f32.msk $0xffff, v13;
	v12 =	vshll.u32 v7, $0x10  }
0x8c: {  	v13 =	vand.u32 $0xFFFF0000, v7;
	[tilespmem:v5+s29+$0x0] =	vst.idx.add.f32.msk $0xffff, v14;
	v14 =	vmul.f32 v12, v3  }
.Ltmp2:
0x8d: {  	v13 =	vmul.f32 v13, v3;
	v3 =	vmovc v4;
	v7 =	vld.idx.msk [tilespmem:v6+s20+$0x0], $0xffff;
	v6 =	vmov v9;
	v9 =	vshrl.u32 v11, $0xE;
	(pc) =	sbr.rel @p0 .LBB2_7-.Ltmp2, $4  }
0x8e: {  	v12 =	vand.u32 $0x3FFF, v10;
	v10 =	vmov v11;
	[tilespmem:v2+s30+$0x0] =	vst.idx.add.f32.msk $0xffff, v14;
	v4 =	vmov v8  }
0x8f: {  	s12 =	sshra.s32 s11, $0x2;
	[tilespmem:v2+s31+$0x0] =	vst.idx.add.f32.msk $0xffff, v13;
	v2 =	vmov v5;
	v5 =	vmov v12  }
0x90: {  	v13 =	vshll.u32 v15, $0x10;
	v11 =	vld [tilespmem:s12+$0x13780]  }
0x91: {  	s11 =	sadd.s32 $0x40, s11;
	v14 =	vand.u32 $0xFFFF0000, v15;
	v13 =	vmul.f32 v13, v4;
	v8 =	vld [tilespmem:s10+$0x17680];
	s10 =	smov.u32 s12  }
0x92: {  	_ =	sdelay $0x2  }
0x93: {  	v15 =	vshrl.u32 v11, $0xE;
	_ =	sdelay $0x1  }
0x94: {  	v16 =	vld.idx.msk [tilespmem:v9+s3+$0x0], $0xffff;
	_ =	sdelay $0x2  }
0x95: {  	v10 =	vand.u32 $0x3FFF, v10;
	v17 =	vld.idx.msk [tilespmem:v15+s3+$0x0], $0xffff  }
0x96: {  	v14 =	vmul.f32 v14, v4;
	v19 =	vld [tilespmem:s10+$0x17680]  }
0x97: {  	[tilespmem:v12+s28+$0x0] =	vst.idx.add.f32.msk $0xffff, v13;
	v18 =	vshll.u32 v16, $0x10  }
0x98: {  	[tilespmem:v5+s29+$0x0] =	vst.idx.add.f32.msk $0xffff, v14;
	v55 =	vand.u32 $0x3FFF, v11;
	v53 =	vand.u32 $0xFFFF0000, v16;
	v54 =	vmul.f32 v18, v8  }
0x99: {  	v6 =	vld.idx.msk [tilespmem:v6+s20+$0x0], $0xffff;
	v12 =	vmul.f32 v53, v8  }
0x9a: {  	[tilespmem:v10+s28+$0x0] =	vst.idx.add.f32.msk $0xffff, v54;
	v56 =	vshll.u32 v17, $0x10  }
0x9b: {  	[tilespmem:v10+s29+$0x0] =	vst.idx.add.f32.msk $0xffff, v12;
	v57 =	vand.u32 $0xFFFF0000, v17;
	v12 =	vmul.f32 v56, v19  }
0x9c: {  	v58 =	vld.idx.msk [tilespmem:v9+s20+$0x0], $0xffff;
	v13 =	vmul.f32 v57, v19  }
0x9d: {  	[tilespmem:v55+s28+$0x0] =	vst.idx.add.f32.msk $0xffff, v12  }
0x9e: {  	v59 =	vshll.u32 v7, $0x10;
	[tilespmem:v55+s29+$0x0] =	vst.idx.add.f32.msk $0xffff, v13  }
0x9f: {  	v60 =	vand.u32 $0xFFFF0000, v7;
	v12 =	vmul.f32 v59, v3;
	v13 =	vld.idx.msk [tilespmem:v15+s20+$0x0], $0xffff  }
0xa0: {  	v61 =	vshll.u32 v6, $0x10;
	v3 =	vmul.f32 v60, v3  }
0xa1: {  	v6 =	vand.u32 $0xFFFF0000, v6;
	v7 =	vmul.f32 v61, v4;
	[tilespmem:v2+s30+$0x0] =	vst.idx.add.f32.msk $0xffff, v12  }
0xa2: {  	s8 =	sadd.s32 $0x1, s8;
	[tilespmem:v2+s31+$0x0] =	vst.idx.add.f32.msk $0xffff, v3;
	v2 =	vmul.f32 v6, v4;
	v3 =	vshll.u32 v58, $0x10  }
0xa3: {  	p0 =	sne.s32 s8, $0x14;
	[tilespmem:v5+s30+$0x0] =	vst.idx.add.f32.msk $0xffff, v7;
	v62 =	vand.u32 $0xFFFF0000, v58;
	v3 =	vmul.f32 v3, v8  }
.Ltmp3:
0xa4: {  	[tilespmem:v5+s31+$0x0] =	vst.idx.add.f32.msk $0xffff, v2;
	v2 =	vmul.f32 v62, v8;
	v63 =	vshll.u32 v13, $0x10;
	(pc) =	sbr.rel @p0 .LBB2_4-.Ltmp3, $4  }
0xa5: {  	[tilespmem:v10+s30+$0x0] =	vst.idx.add.f32.msk $0xffff, v3;
	v3 =	vand.u32 $0xFFFF0000, v13;
	v4 =	vmul.f32 v63, v19  }
0xa6: {  	[tilespmem:v10+s31+$0x0] =	vst.idx.add.f32.msk $0xffff, v2;
	v2 =	vmul.f32 v3, v19  }
0xa7: {  	[tilespmem:v55+s30+$0x0] =	vst.idx.add.f32.msk $0xffff, v4  }
0xa8: {  	[tilespmem:v55+s31+$0x0] =	vst.idx.add.f32.msk $0xffff, v2  }
0xa9: {  	s7 =	rddreg [dreg:$0x6]  }
0xaa: {  	[hbm4b:s7+s18] =	stream.strided.scatter [tilespmem:s28], [sflag:$0x4], $0x2800, s19, s18, $0x38;
	[tilespmem:$0x1A600] =	vst v63  }
0xab: {  	_ =	swait.ge [sflag:s0], $0x2800  }
0xac: {  	[sflag:s0] =	ssyncset.done $0x0  }
0xad: {  	s8 =	rddreg [dreg:$0x7];
	[sflag:s0] =	ssyncadd.s32 $0xFFFFD800  }
0xae: {  	[hbm4b:s8+s18] =	stream.strided.scatter [tilespmem:s29], [sflag:$0x4], $0x2800, s19, s18, $0x38;
	[tilespmem:$0x1A600] =	vst v63  }
0xaf: {  	_ =	swait.ge [sflag:s0], $0x2800  }
0xb0: {  	[sflag:s0] =	ssyncset.done $0x0  }
0xb1: {  	s10 =	rddreg [dreg:$0x8];
	[sflag:s0] =	ssyncadd.s32 $0xFFFFD800  }
0xb2: {  	[hbm4b:s10+s18] =	stream.strided.scatter [tilespmem:s30], [sflag:$0x4], $0x2800, s19, s18, $0x38;
	[tilespmem:$0x1A600] =	vst v63  }
0xb3: {  	_ =	swait.ge [sflag:s0], $0x2800  }
0xb4: {  	[sflag:s0] =	ssyncset.done $0x0  }
0xb5: {  	s11 =	rddreg [dreg:$0x9];
	[sflag:s0] =	ssyncadd.s32 $0xFFFFD800  }
0xb6: {  	[hbm4b:s11+s18] =	stream.strided.scatter [tilespmem:s31], [sflag:$0x4], $0x2800, s19, s18, $0x38;
	[tilespmem:$0x1A600] =	vst v63  }
0xb7: {  	_ =	swait.ge [sflag:s0], $0x2800  }
0xb8: {  	[sflag:s0] =	ssyncset.done $0x0  }
0xb9: {  	s12 =	simm.s32 $0x0;
	[sflag:s0] =	ssyncadd.s32 $0xFFFFD800  }
0xba: {  	[tilespmem:s22], [sflag:$0x2] =	stream.linear.gather [hbm4b:s9+s12], $0x7D0, $0x38;
	[tilespmem:$0x1A600] =	vst v63  }
0xbb: {  	s8 =	rddreg [dreg:$0xa]  }
0xbc: {  	[tilespmem:s23], [sflag:$0x3] =	stream.linear.gather [hbm4b:s8+s12], $0x7D0, $0x38;
	[tilespmem:$0x1A600] =	vst v63  }
0xbd: {  	_ =	swait.ge [sflag:s24], $0x7D0  }
0xbe: {  	[sflag:s24] =	ssyncset.done $0x0  }
0xbf: {  	s13 =	simm.s32 $0x0;
	[sflag:s24] =	ssyncadd.s32 $0xFFFFF830  }
0xc0: {  	v2 =	vld [tilespmem:s13+$0x19600];
	_ =	sdelay $0x3  }
0xc1: {  	s7 =	simm.s32 $0x40  }
.LBB2_10:
0xc2: {  	s8 =	sshra.s32 s7, $0x2;
	p0 =	sne.s32 s7, $0x1F00;
	s7 =	sadd.s32 $0x40, s7;
	v3 =	vand.u32 $0x3FFF, v2  }
.Ltmp4:
0xc3: {  	v2 =	vld [tilespmem:s8+$0x19600];
	(pc) =	sbr.rel @p0 .LBB2_10-.Ltmp4, $2  }
0xc4: {  	_ =	sdelay $0x2  }
0xc5: {  	[tilespmem:v3+s5+$0x0] =	vst.idx.add.f32.msk $0xffff, v1  }
0xc6: {  	v2 =	vand.u32 $0x3FFF, v2;
	_ =	sdelay $0x4  }
0xc7: {  	[tilespmem:v2+s5+$0x0] =	vst.idx.add.f32.msk $0xffff, v1  }
0xc8: {  	s7 =	simm.s32 $0x0;
	s8 =	rddreg [dreg:$0xb]  }
0xc9: {  	[tilespmem:s22], [sflag:$0x2] =	stream.linear.gather [hbm4b:s8+s7], $0x7D0, $0x38;
	[tilespmem:$0x1A600] =	vst v63  }
0xca: {  	_ =	swait.ge [sflag:s1], $0x7D0  }
0xcb: {  	[sflag:s1] =	ssyncset.done $0x0  }
0xcc: {  	s13 =	simm.s32 $0x0;
	[sflag:s1] =	ssyncadd.s32 $0xFFFFF830  }
0xcd: {  	v2 =	vld [tilespmem:s13+$0x19E00];
	_ =	sdelay $0x3  }
0xce: {  	s7 =	simm.s32 $0x40  }
.LBB2_12:
0xcf: {  	s8 =	sshra.s32 s7, $0x2;
	p0 =	sne.s32 s7, $0x1F00;
	s7 =	sadd.s32 $0x40, s7;
	v3 =	vand.u32 $0x3FFF, v2  }
.Ltmp5:
0xd0: {  	v2 =	vld [tilespmem:s8+$0x19E00];
	(pc) =	sbr.rel @p0 .LBB2_12-.Ltmp5, $2  }
0xd1: {  	_ =	sdelay $0x2  }
0xd2: {  	[tilespmem:v3+s5+$0x0] =	vst.idx.add.f32.msk $0xffff, v1  }
0xd3: {  	v2 =	vand.u32 $0x3FFF, v2;
	_ =	sdelay $0x4  }
0xd4: {  	s7 =	simm.s32 $0x0;
	[tilespmem:v2+s5+$0x0] =	vst.idx.add.f32.msk $0xffff, v1  }
0xd5: {  	[tilespmem:s23], [sflag:$0x3] =	stream.linear.gather [hbm4b:s14+s7], $0x7D0, $0x38;
	[tilespmem:$0x1A600] =	vst v63  }
0xd6: {  	_ =	swait.ge [sflag:s24], $0x7D0  }
0xd7: {  	[sflag:s24] =	ssyncset.done $0x0  }
0xd8: {  	s8 =	simm.s32 $0x0;
	[sflag:s24] =	ssyncadd.s32 $0xFFFFF830  }
0xd9: {  	v2 =	vld [tilespmem:s8+$0x19600];
	_ =	sdelay $0x3  }
0xda: {  	s7 =	simm.s32 $0x40  }
.LBB2_14:
0xdb: {  	s8 =	sshra.s32 s7, $0x2;
	p0 =	sne.s32 s7, $0x1F00;
	s7 =	sadd.s32 $0x40, s7;
	v3 =	vand.u32 $0x3FFF, v2  }
.Ltmp6:
0xdc: {  	v2 =	vld [tilespmem:s8+$0x19600];
	(pc) =	sbr.rel @p0 .LBB2_14-.Ltmp6, $2  }
0xdd: {  	_ =	sdelay $0x2  }
0xde: {  	[tilespmem:v3+s5+$0x0] =	vst.idx.add.f32.msk $0xffff, v1  }
0xdf: {  	v2 =	vand.u32 $0x3FFF, v2;
	_ =	sdelay $0x4  }
0xe0: {  	s7 =	simm.s32 $0x0;
	[tilespmem:v2+s5+$0x0] =	vst.idx.add.f32.msk $0xffff, v1  }
0xe1: {  	[tilespmem:s22], [sflag:$0x2] =	stream.linear.gather [hbm4b:s15+s7], $0x7D0, $0x38;
	[tilespmem:$0x1A600] =	vst v63  }
0xe2: {  	_ =	swait.ge [sflag:s1], $0x7D0  }
0xe3: {  	[sflag:s1] =	ssyncset.done $0x0  }
0xe4: {  	s8 =	simm.s32 $0x0;
	[sflag:s1] =	ssyncadd.s32 $0xFFFFF830  }
0xe5: {  	v2 =	vld [tilespmem:s8+$0x19E00];
	_ =	sdelay $0x3  }
0xe6: {  	s7 =	simm.s32 $0x40  }
.LBB2_16:
0xe7: {  	s8 =	sshra.s32 s7, $0x2;
	p0 =	sne.s32 s7, $0x1F00;
	s7 =	sadd.s32 $0x40, s7;
	v3 =	vand.u32 $0x3FFF, v2  }
.Ltmp7:
0xe8: {  	v2 =	vld [tilespmem:s8+$0x19E00];
	(pc) =	sbr.rel @p0 .LBB2_16-.Ltmp7, $2  }
0xe9: {  	_ =	sdelay $0x2  }
0xea: {  	[tilespmem:v3+s5+$0x0] =	vst.idx.add.f32.msk $0xffff, v1  }
0xeb: {  	v2 =	vand.u32 $0x3FFF, v2;
	_ =	sdelay $0x4  }
0xec: {  	[tilespmem:v2+s5+$0x0] =	vst.idx.add.f32.msk $0xffff, v1  }
0xed: {  	_ =	swait.ge [sflag:s24], $0x7D0  }
0xee: {  	[sflag:s24] =	ssyncset.done $0x0  }
0xef: {  	s8 =	simm.s32 $0x0;
	[sflag:s24] =	ssyncadd.s32 $0xFFFFF830  }
0xf0: {  	v2 =	vld [tilespmem:s8+$0x19600];
	_ =	sdelay $0x3  }
0xf1: {  	s7 =	simm.s32 $0x40  }
.LBB2_18:
0xf2: {  	s8 =	sshra.s32 s7, $0x2;
	p0 =	sne.s32 s7, $0x1F00;
	s7 =	sadd.s32 $0x40, s7;
	v3 =	vand.u32 $0x3FFF, v2  }
.Ltmp8:
0xf3: {  	v2 =	vld [tilespmem:s8+$0x19600];
	(pc) =	sbr.rel @p0 .LBB2_18-.Ltmp8, $2  }
0xf4: {  	_ =	sdelay $0x2  }
0xf5: {  	[tilespmem:v3+s5+$0x0] =	vst.idx.add.f32.msk $0xffff, v1  }
0xf6: {  	v2 =	vand.u32 $0x3FFF, v2;
	_ =	sdelay $0x2  }
0xf7: {  	s6 =	sadd.s32 $0x1, s6  }
0xf8: {  	p0 =	sne.s32 s6, s17  }
.Ltmp9:
0xf9: {  	[tilespmem:v2+s5+$0x0] =	vst.idx.add.f32.msk $0xffff, v1;
	(pc) =	sbr.rel @p0 .LBB2_1-.Ltmp9, $4  }
0xfa: {  	[hbm4b:s16+s18] =	stream.strided.scatter [tilespmem:s5], [sflag:$0x4], $0x2800, s19, s18, $0x38;
	[tilespmem:$0x1A600] =	vst v63  }
0xfb: {  	_ =	swait.ge [sflag:s0], $0x2800  }
0xfc: {  	[sflag:s0] =	ssyncset.done $0x0  }
0xfd: {  	[sflag:s0] =	ssyncadd.s32 $0xFFFFD800  }
0xfe: {  	_ =	sfence.sel $0x180000  }
0xff: {  	[bflag:$0x0] =	sbarrier.arrive $0xFFFF  }
0x100: {  	_ =	strace $0x90000047  }
0x101: {  	s0 =	stileid.u32;
	[bflag:$0x2] =	sbarrier.arrive $0xFFFF  }
0x102: {  	p0 =	sne.s32 s0, $0x0;
	s0 =	rddreg [dreg:$0x3]  }
0x103: {  	s0 =	sadd.s32 @!p0 $0x100000, s0  }
0x104: {  	[sflag:s0] =	ssyncadd.tile.s32 @!p0 $0x1;
	_ =	shalt  }
.Lfunc_end2:
_tile_overlayer_lowered:
.L_overlay_start_2:
0x105: {  	(tag) =	ssettag $0x2  }
0x106: {  	s0 =	rddreg [dreg:$0x0];
	s2 =	stileid.u32  }
0x107: {  	s1 =	rddreg [dreg:$0x1];
	p0 =	sne.s32 s2, $0x0  }
0x108: {  	s3 =	rddreg [dreg:$0x2];
	[bflag:$0x3] =	sbarrier.arrive $0xFFFF;
	s2 =	simm.s32 @!p0 $0x1C04  }
0x109: {  	[timem:s3], [sflag:s2] =	dma.local @!p0 [hbm:s0], s1  }
0x10a: {  	s0 =	simm.s32 @!p0 $0x4  }
0x10b: {  	_ =	swait.ge @!p0 [sflag:s0], s1  }
0x10c: {  	s1 =	ssub.s32 @!p0 $0x0, s1;
	[sflag:s0] =	ssyncset.done @!p0 $0x0  }
0x10d: {  	[sflag:s0] =	ssyncadd.s32 @!p0 s1  }
0x10e: {  	[bflag:$0x3] =	sbarrier.arrive $0xFFFF  }
0x10f: {  	_ =	shalt  }

</sc_bundles>
